<compile_context>
chip_gen: v7x
topology: tpu7x:2x2x1
jax: 0.10.2.dev20260603
libtpu: 0.0.44.dev20260713+nightly
codegen_flags: <defaults>
</compile_context>

<pallas_src>
import functools

import jax
import jax.numpy as jnp
import numpy as np
from jax import lax
from jax.experimental import pallas as pl
from jax.experimental.pallas import tpu as pltpu
from jax.experimental.pallas import tpu_sc as plsc

_FEAT_H = 50
_FEAT_W = 50
_IN_C = 256
_MID_C = 256
_N_ANCHOR = 9
_STRIDE = 16
_PRE_NMS = 2000
_POST_NMS = 300
_NMS_TH = 0.7
_MIN_SIZE = 16.0

_P = _FEAT_H * _FEAT_W
_PP = 52 * 52
_NB = _FEAT_H * _FEAT_W * _N_ANCHOR
_NBP = 176 * 128
_NC = 2048


def _make_anchors():
    base = 16.0
    ratios = [0.5, 1.0, 2.0]
    scales = [8.0, 16.0, 32.0]
    py = base / 2.0
    px = base / 2.0
    ab = np.zeros((9, 4), np.float32)
    for i, r in enumerate(ratios):
        for j, s in enumerate(scales):
            hh = base * s * np.sqrt(r)
            ww = base * s * np.sqrt(1.0 / r)
            k = i * 3 + j
            ab[k] = [py - hh / 2.0, px - ww / 2.0, py + hh / 2.0, px + ww / 2.0]
    sy = np.arange(0, _FEAT_H * _STRIDE, _STRIDE, dtype=np.float32)
    sx = np.arange(0, _FEAT_W * _STRIDE, _STRIDE, dtype=np.float32)
    sxg, syg = np.meshgrid(sx, sy)
    shift = np.stack([syg.ravel(), sxg.ravel(), syg.ravel(), sxg.ravel()], axis=1)
    return (shift[:, None, :] + ab[None, :, :]).reshape(-1, 4).astype(np.float32)


_ANCHORS_NP = _make_anchors()


def _head_body(xbt_ref, w9t_ref, b1_ref, wslt_ref, bsl_ref, out_ref):
    shifts = []
    for k in range(9):
        dy, dx = k // 3, k % 3
        off = 53 + (dy - 1) * 52 + (dx - 1)
        shifts.append(xbt_ref[off:off + _PP, :])
    x9t = jnp.concatenate(shifts, axis=1)
    acc = jnp.dot(x9t, w9t_ref[...], preferred_element_type=jnp.float32)
    feat = jnp.maximum(acc + b1_ref[:1, :], 0.0)
    out_ref[...] = jnp.dot(feat, wslt_ref[...],
                           preferred_element_type=jnp.float32) + bsl_ref[:1, :]


def _decode_body(l0_ref, l1_ref, loc_ref, anc_ref, msz_ref,
                 sc_ref, box_ref, dest_ref, tb_ref):
    l0 = l0_ref[...]
    l1 = l1_ref[...]
    m = jnp.maximum(l0, l1)
    e0 = jnp.exp(l0 - m)
    e1 = jnp.exp(l1 - m)
    fg = e1 / (e0 + e1)

    ay1 = anc_ref[0]
    ax1 = anc_ref[1]
    ay2 = anc_ref[2]
    ax2 = anc_ref[3]
    ah = ay2 - ay1
    aw = ax2 - ax1
    acy = ay1 + 0.5 * ah
    acx = ax1 + 0.5 * aw
    dy = loc_ref[0]
    dx = loc_ref[1]
    dh = loc_ref[2]
    dw = loc_ref[3]
    cy = dy * ah + acy
    cx = dx * aw + acx
    hh = jnp.exp(dh) * ah
    ww = jnp.exp(dw) * aw
    y1 = jnp.clip(cy - 0.5 * hh, 0.0, 800.0)
    x1 = jnp.clip(cx - 0.5 * ww, 0.0, 800.0)
    y2 = jnp.clip(cy + 0.5 * hh, 0.0, 800.0)
    x2 = jnp.clip(cx + 0.5 * ww, 0.0, 800.0)
    box_ref[0] = y1
    box_ref[1] = x1
    box_ref[2] = y2
    box_ref[3] = x2

    msz = msz_ref[0, 0]
    valid = ((y2 - y1) >= msz) & ((x2 - x1) >= msz)
    rows = lax.broadcasted_iota(jnp.int32, (176, 128), 0)
    cols = lax.broadcasted_iota(jnp.int32, (176, 128), 1)
    inb = (rows * 128 + cols) < _NB
    sc = jnp.where(valid & inb, fg, -jnp.inf)
    sc_ref[...] = sc

    bits = lax.bitcast_convert_type(sc, jnp.int32)
    keys = bits ^ ((bits >> 31) & jnp.int32(0x7FFFFFFF))

    def bis(_, lohi):
        lo, hi = lohi
        mid = lo + (hi - lo) // 2
        cnt = jnp.sum((keys >= mid).astype(jnp.int32))
        big = cnt >= _PRE_NMS
        return (jnp.where(big, mid, lo), jnp.where(big, hi, mid))

    v, _ = lax.fori_loop(0, 32, bis, (jnp.int32(-0x01000000), jnp.int32(0x40000000)))

    finite = sc > -jnp.inf
    sel = (keys >= v) & finite
    selef = sel.astype(jnp.float32)
    ltri = (lax.broadcasted_iota(jnp.int32, (128, 128), 0)
            <= lax.broadcasted_iota(jnp.int32, (128, 128), 1)).astype(jnp.float32)
    incl = jnp.dot(selef, ltri, preferred_element_type=jnp.float32)
    rowsum = incl[:, 127:128]
    stri = (lax.broadcasted_iota(jnp.int32, (176, 176), 1)
            < lax.broadcasted_iota(jnp.int32, (176, 176), 0)).astype(jnp.float32)
    rowoff = jnp.dot(stri, rowsum, preferred_element_type=jnp.float32)
    destf = rowoff + incl - selef
    dest = destf.astype(jnp.int32)
    dest_ref[...] = jnp.where(sel & (dest < _NC), dest, _NC)

    m0 = jnp.max(sc)
    em0 = sc == m0
    lane = lax.broadcasted_iota(jnp.int32, (1, 128), 1)
    t_y1 = jnp.sum(jnp.where(em0, y1, 0.0))
    t_x1 = jnp.sum(jnp.where(em0, x1, 0.0))
    t_y2 = jnp.sum(jnp.where(em0, y2, 0.0))
    t_x2 = jnp.sum(jnp.where(em0, x2, 0.0))
    tb_ref[...] = jnp.broadcast_to(
        jnp.where(lane == 0, t_y1,
        jnp.where(lane == 1, t_x1,
        jnp.where(lane == 2, t_y2,
        jnp.where(lane == 3, t_x2, 0.0)))), (8, 128))


_PAD_IDX = 22520
_TRASH = _NC
_CHUNK_ROWS = 16


def _compact_body(dest_ref, gidx_ref, sc_ref, b0_ref, b1_ref, b2_ref, b3_ref,
                  sidx_ref, csc_ref, cb0_ref, cb1_ref, cb2_ref, cb3_ref,
                  didx_v, ival_v, myidx_v, gbuf_v, init_v, sem):
    cid = lax.axis_index("c")
    sid = lax.axis_index("s")

    @pl.when(cid == 0)
    def _():
        for j in range(8):
            init_v[pl.ds(j * 16, 16)] = jnp.full((16,), _PAD_IDX, jnp.int32)
        pltpu.sync_copy(init_v, sidx_ref.at[pl.ds(sid * 128, 128)])

        @pl.when(sid == 0)
        def _():
            pltpu.sync_copy(init_v, sidx_ref.at[pl.ds(_NC, 128)])

        plsc.subcore_barrier()

        pltpu.sync_copy(dest_ref.at[pl.ds(sid * _CHUNK_ROWS, _CHUNK_ROWS), :],
                        didx_v)
        pltpu.sync_copy(gidx_ref.at[pl.ds(sid * _CHUNK_ROWS, _CHUNK_ROWS), :],
                        ival_v)
        for j in range(_CHUNK_ROWS):
            pltpu.async_copy(ival_v.at[j], sidx_ref.at[didx_v.at[j]], sem).wait()
        plsc.subcore_barrier()

        pltpu.sync_copy(sidx_ref.at[pl.ds(sid * 128, 128)], myidx_v)
        for src, dst in ((sc_ref, csc_ref), (b0_ref, cb0_ref),
                         (b1_ref, cb1_ref), (b2_ref, cb2_ref),
                         (b3_ref, cb3_ref)):
            pltpu.async_copy(src.at[myidx_v], gbuf_v, sem).wait()
            pltpu.sync_copy(gbuf_v, dst.at[pl.ds(sid * 128, 128)])


def _compact(dest, gidx, scf, b0, b1, b2, b3):
    mesh = plsc.VectorSubcoreMesh(core_axis_name="c", subcore_axis_name="s")
    f = pl.kernel(
        _compact_body,
        mesh=mesh,
        out_type=[
            jax.ShapeDtypeStruct((_NC + 128,), jnp.int32),
            jax.ShapeDtypeStruct((_NC,), jnp.float32),
            jax.ShapeDtypeStruct((_NC,), jnp.float32),
            jax.ShapeDtypeStruct((_NC,), jnp.float32),
            jax.ShapeDtypeStruct((_NC,), jnp.float32),
            jax.ShapeDtypeStruct((_NC,), jnp.float32),
        ],
        scratch_types=[
            pltpu.VMEM((_CHUNK_ROWS, 128), jnp.int32),
            pltpu.VMEM((_CHUNK_ROWS, 128), jnp.int32),
            pltpu.VMEM((128,), jnp.int32),
            pltpu.VMEM((128,), jnp.float32),
            pltpu.VMEM((128,), jnp.int32),
            pltpu.SemaphoreType.DMA,
        ],
    )
    return f(dest, gidx, scf, b0, b1, b2, b3)


def _nms_body(box_ref, sc_ref, tb_ref, out_ref):
    by1 = box_ref[0]
    bx1 = box_ref[1]
    by2 = box_ref[2]
    bx2 = box_ref[3]
    areas = (by2 - by1) * (bx2 - bx1)
    rows = lax.broadcasted_iota(jnp.int32, (16, 128), 0)
    cols = lax.broadcasted_iota(jnp.int32, (16, 128), 1)
    ii = rows * 128 + cols
    lane = lax.broadcasted_iota(jnp.int32, (1, 128), 1)

    def body(i, s):
        mval = jnp.max(s)
        exh = mval == -jnp.inf
        em = s == mval
        y1 = jnp.where(exh, tb_ref[0, 0], jnp.sum(jnp.where(em, by1, 0.0)))
        x1 = jnp.where(exh, tb_ref[0, 1], jnp.sum(jnp.where(em, bx1, 0.0)))
        y2 = jnp.where(exh, tb_ref[0, 2], jnp.sum(jnp.where(em, by2, 0.0)))
        x2 = jnp.where(exh, tb_ref[0, 3], jnp.sum(jnp.where(em, bx2, 0.0)))
        a = (y2 - y1) * (x2 - x1)
        iy1 = jnp.maximum(y1, by1)
        ix1 = jnp.maximum(x1, bx1)
        iy2 = jnp.minimum(y2, by2)
        ix2 = jnp.minimum(x2, bx2)
        inter = jnp.maximum(iy2 - iy1, 0.0) * jnp.maximum(ix2 - ix1, 0.0)
        iou = inter / (a + areas - inter + 1e-9)
        s = jnp.where((iou >= _NMS_TH) | em, -jnp.inf, s)
        row = jnp.where(lane == 0, y1,
              jnp.where(lane == 1, x1,
              jnp.where(lane == 2, y2,
              jnp.where(lane == 3, x2, 0.0))))
        out_ref[pl.ds(i, 1), :] = row
        return s

    lax.fori_loop(0, _POST_NMS, body, sc_ref[...])


def kernel(x, img_shape, W1, b1, Ws, bs, Wl, bl, scale):
    xp = jnp.pad(x[0], ((0, 0), (1, 1), (1, 1))).reshape(_IN_C, _PP)
    xbt = jnp.pad(jnp.transpose(xp, (1, 0)), ((53, 53), (0, 0)))
    w9t = jnp.transpose(W1, (2, 3, 1, 0)).reshape(9 * _IN_C, _MID_C)
    wsl = jnp.concatenate([Ws[:, :, 0, 0], Wl[:, :, 0, 0]], axis=0)
    wslt = jnp.transpose(jnp.pad(wsl, ((0, 10), (0, 0))), (1, 0))
    bsl = jnp.pad(jnp.concatenate([bs, bl]), (0, 10))

    sl_t = pl.pallas_call(
        _head_body,
        out_shape=jax.ShapeDtypeStruct((_PP, 64), jnp.float32),
    )(xbt, w9t, b1[None, :], wslt, bsl[None, :])
    sl = jnp.transpose(sl_t, (1, 0))

    sl_in = sl.reshape(64, 52, 52)[:, 1:51, 1:51].reshape(64, _P)
    score_flat = sl_in[:18]
    loc_flat = sl_in[18:54]
    rpn_score = jnp.transpose(score_flat, (1, 0)).reshape(1, _NB, 2)
    rpn_offset = loc_flat.reshape(1, _NB, 4)

    pad_n = _NBP - _NB
    l0 = jnp.pad(rpn_score[0, :, 0], (0, pad_n)).reshape(176, 128)
    l1 = jnp.pad(rpn_score[0, :, 1], (0, pad_n)).reshape(176, 128)
    loc4 = jnp.pad(jnp.transpose(rpn_offset[0], (1, 0)),
                   ((0, 0), (0, pad_n))).reshape(4, 176, 128)
    anc4 = jnp.asarray(
        np.pad(_ANCHORS_NP.T, ((0, 0), (0, pad_n))).reshape(4, 176, 128))
    msz = (jnp.float32(_MIN_SIZE) * scale).astype(jnp.float32).reshape(1, 1)

    sc, box4, dest, tb = pl.pallas_call(
        _decode_body,
        out_shape=[
            jax.ShapeDtypeStruct((176, 128), jnp.float32),
            jax.ShapeDtypeStruct((4, 176, 128), jnp.float32),
            jax.ShapeDtypeStruct((176, 128), jnp.int32),
            jax.ShapeDtypeStruct((8, 128), jnp.float32),
        ],
    )(l0, l1, loc4, anc4, msz)

    destp = jnp.pad(dest, ((0, 80), (0, 0)), constant_values=_NC)
    gidx = jnp.minimum(jnp.arange(256 * 128, dtype=jnp.int32),
                       _PAD_IDX).reshape(256, 128)
    scf = sc.reshape(_NBP)
    bf = box4.reshape(4, _NBP)
    _, csc, cb0, cb1, cb2, cb3 = _compact(
        destp, gidx, scf, bf[0], bf[1], bf[2], bf[3])
    bp = jnp.stack([cb0, cb1, cb2, cb3]).reshape(4, 16, 128)
    ts = csc.reshape(16, 128)

    rois_pad = pl.pallas_call(
        _nms_body,
        out_shape=jax.ShapeDtypeStruct((304, 128), jnp.float32),
    )(bp, ts, tb)
    rois = rois_pad[:_POST_NMS, :4]

    roi_indices = jnp.zeros((_POST_NMS,), jnp.int32)
    anchors = jnp.asarray(_ANCHORS_NP)[None]
    return (rpn_offset, rpn_score, rois, roi_indices, anchors)

# --- scband reference (transcript-rebuilt; emitter-appended) ---
"""Pipeline reference for scband-region-proposal-network-66967130079762 (READ-ONLY COPY).

The authoritative reference and input builder live on the scoring server;
editing this copy changes nothing except your own understanding.
"""

import jax, jax.numpy as jnp
import numpy as np
from jax import lax

FEAT_H = 50
FEAT_W = 50
IN_C = 256
MID_C = 256
N_ANCHOR = 9
STRIDE = 16
IMG_H = 800
IMG_W = 800
PRE_NMS = 2000
POST_NMS = 300
NMS_TH = 0.7
MIN_SIZE = 16.0


def _anchor_base():
    base = 16.0
    ratios = [0.5, 1.0, 2.0]
    scales = [8.0, 16.0, 32.0]
    py = base / 2.0
    px = base / 2.0
    ab = np.zeros((len(ratios) * len(scales), 4), np.float32)
    for i, r in enumerate(ratios):
        for j, s in enumerate(scales):
            hh = base * s * np.sqrt(r)
            ww = base * s * np.sqrt(1.0 / r)
            k = i * len(scales) + j
            ab[k, 0] = py - hh / 2.0
            ab[k, 1] = px - ww / 2.0
            ab[k, 2] = py + hh / 2.0
            ab[k, 3] = px + ww / 2.0
    return ab


def _all_anchors(h, w):
    ab = _anchor_base()
    sy = np.arange(0, h * STRIDE, STRIDE, dtype=np.float32)
    sx = np.arange(0, w * STRIDE, STRIDE, dtype=np.float32)
    sxg, syg = np.meshgrid(sx, sy)
    shift = np.stack([syg.ravel(), sxg.ravel(), syg.ravel(), sxg.ravel()], axis=1)
    a = (shift[:, None, :] + ab[None, :, :]).reshape(-1, 4).astype(np.float32)
    return jnp.asarray(a)


def _conv(x, w, b, pad):
    y = lax.conv_general_dilated(x, w, (1, 1), [(pad, pad), (pad, pad)], dimension_numbers=('NCHW', 'OIHW', 'NCHW'))
    return y + b[None, :, None, None]


def _loc2bbox(anc, loc):
    ah = anc[:, 2] - anc[:, 0]
    aw = anc[:, 3] - anc[:, 1]
    ay = anc[:, 0] + 0.5 * ah
    ax = anc[:, 1] + 0.5 * aw
    dy = loc[:, 0]
    dx = loc[:, 1]
    dh = loc[:, 2]
    dw = loc[:, 3]
    cy = dy * ah + ay
    cx = dx * aw + ax
    hh = jnp.exp(dh) * ah
    ww = jnp.exp(dw) * aw
    return jnp.stack([cy - 0.5 * hh, cx - 0.5 * ww, cy + 0.5 * hh, cx + 0.5 * ww], axis=1)


def _nms(boxes, scores, thresh, n_out):
    y1 = boxes[:, 0]
    x1 = boxes[:, 1]
    y2 = boxes[:, 2]
    x2 = boxes[:, 3]
    areas = (y2 - y1) * (x2 - x1)
    iy1 = jnp.maximum(y1[:, None], y1[None, :])
    ix1 = jnp.maximum(x1[:, None], x1[None, :])
    iy2 = jnp.minimum(y2[:, None], y2[None, :])
    ix2 = jnp.minimum(x2[:, None], x2[None, :])
    inter = jnp.clip(iy2 - iy1, 0.0) * jnp.clip(ix2 - ix1, 0.0)
    iou = inter / (areas[:, None] + areas[None, :] - inter + 1e-9)
    n = boxes.shape[0]

    def body(i, carry):
        supp, sel = carry
        s = jnp.where(supp, -jnp.inf, scores)
        idx = jnp.argmax(s)
        sel = sel.at[i].set(idx.astype(jnp.int32))
        supp = supp | (iou[idx] >= thresh)
        supp = supp.at[idx].set(True)
        return (supp, sel)

    supp0 = jnp.zeros((n,), dtype=bool)
    sel0 = jnp.zeros((n_out,), dtype=jnp.int32)
    _, sel = lax.fori_loop(0, n_out, body, (supp0, sel0))
    return sel


def setup_inputs(seed: int = 0):
    key = jax.random.key(seed)
    ks = jax.random.split(key, 6)
    x = jax.random.normal(ks[0], (1, IN_C, FEAT_H, FEAT_W), dtype=jnp.float32)
    img_shape = jnp.zeros((1, 3, IMG_H, IMG_W), dtype=jnp.float32)
    W1 = jax.random.normal(ks[1], (MID_C, IN_C, 3, 3), dtype=jnp.float32) * 0.01
    b1 = jnp.zeros((MID_C,), dtype=jnp.float32)
    Ws = jax.random.normal(ks[2], (2 * N_ANCHOR, MID_C, 1, 1), dtype=jnp.float32) * 0.01
    bs = jnp.zeros((2 * N_ANCHOR,), dtype=jnp.float32)
    Wl = jax.random.normal(ks[3], (4 * N_ANCHOR, MID_C, 1, 1), dtype=jnp.float32) * 0.01
    bl = jnp.zeros((4 * N_ANCHOR,), dtype=jnp.float32)
    return {'x': x, 'img_shape': img_shape, 'W1': W1, 'b1': b1, 'Ws': Ws, 'bs': bs, 'Wl': Wl, 'bl': bl, 'scale': 1}


def reference(x, img_shape, W1, b1, Ws, bs, Wl, bl, scale):
    n = x.shape[0]
    h = x.shape[2]
    w = x.shape[3]
    H = img_shape.shape[-2]
    Wi = img_shape.shape[-1]
    anchors = _all_anchors(h, w)[None, :, :]
    feat = jax.nn.relu(_conv(x, W1, b1, 1))
    score_out = _conv(feat, Ws, bs, 0)
    loc_out = _conv(feat, Wl, bl, 0)
    rpn_offset = loc_out.reshape(n, -1, 4)
    rpn_score = jnp.transpose(score_out, (0, 2, 3, 1))
    sm = jax.nn.softmax(rpn_score.reshape(n, h, w, N_ANCHOR, 2), axis=4)
    fg = sm[..., 1].reshape(n, -1)
    rpn_score = rpn_score.reshape(n, -1, 2)
    rois_list = []
    idx_list = []
    for i in range(n):
        boxes = _loc2bbox(anchors[0], rpn_offset[i])
        boxes = jnp.stack([jnp.clip(boxes[:, 0], 0.0, float(H)), jnp.clip(boxes[:, 1], 0.0, float(Wi)), jnp.clip(boxes[:, 2], 0.0, float(H)), jnp.clip(boxes[:, 3], 0.0, float(Wi))], axis=1)
        hs = boxes[:, 2] - boxes[:, 0]
        ws_ = boxes[:, 3] - boxes[:, 1]
        min_sz = MIN_SIZE * scale
        valid = (hs >= min_sz) & (ws_ >= min_sz)
        sc = jnp.where(valid, fg[i], -jnp.inf)
        top_sc, order = lax.top_k(sc, PRE_NMS)
        boxes_pre = boxes[order]
        keep = _nms(boxes_pre, top_sc, NMS_TH, POST_NMS)
        rois_list.append(boxes_pre[keep])
        idx_list.append(jnp.full((POST_NMS,), i, dtype=jnp.int32))
    rois = jnp.concatenate(rois_list, axis=0)
    roi_indices = jnp.concatenate(idx_list, axis=0)
    return (rpn_offset, rpn_score, rois, roi_indices, anchors)

if __name__ == "__main__":
    import jax
    _d = setup_inputs()
    print(jax.jit(kernel)(*tuple(_d.values())))

</pallas_src>

<mosaic_0001>
#map = affine_map<(d0, d1) -> (0, 0)>
#map1 = affine_map<(d0, d1) -> (0)>
module attributes {stable_mosaic.version = 14 : i64} {
  func.func @_compact_body(%arg0: i32, %arg1: i32, %arg2: memref<256x128xi32, #tpu.memory_space<hbm>>, %arg3: memref<256x128xi32, #tpu.memory_space<hbm>>, %arg4: memref<22528xf32, #tpu.memory_space<hbm>>, %arg5: memref<22528xf32, #tpu.memory_space<hbm>>, %arg6: memref<22528xf32, #tpu.memory_space<hbm>>, %arg7: memref<22528xf32, #tpu.memory_space<hbm>>, %arg8: memref<22528xf32, #tpu.memory_space<hbm>>, %arg9: memref<2176xi32, #tpu.memory_space<hbm>>, %arg10: memref<2048xf32, #tpu.memory_space<hbm>>, %arg11: memref<2048xf32, #tpu.memory_space<hbm>>, %arg12: memref<2048xf32, #tpu.memory_space<hbm>>, %arg13: memref<2048xf32, #tpu.memory_space<hbm>>, %arg14: memref<2048xf32, #tpu.memory_space<hbm>>, %arg15: memref<16x128xi32, #tpu.memory_space<vmem>>, %arg16: memref<16x128xi32, #tpu.memory_space<vmem>>, %arg17: memref<128xi32, #tpu.memory_space<vmem>>, %arg18: memref<128xf32, #tpu.memory_space<vmem>>, %arg19: memref<128xi32, #tpu.memory_space<vmem>>, %arg20: memref<!tpu.dma_semaphore, #tpu.memory_space<semaphore_mem>>) attributes {dimension_semantics = [#tpu.dimension_semantics<core_parallel>, #tpu.dimension_semantics<subcore_parallel>], iteration_bounds = array<i64: 2, 16>, scalar_prefetch = 0 : i64, scratch_operands = 6 : i64, tpu.core_type = #tpu.core_type<sc_vector_subcore>, window_params = [{transform_indices = #map}, {transform_indices = #map}, {transform_indices = #map1}, {transform_indices = #map1}, {transform_indices = #map1}, {transform_indices = #map1}, {transform_indices = #map1}, {transform_indices = #map1}, {transform_indices = #map1}, {transform_indices = #map1}, {transform_indices = #map1}, {transform_indices = #map1}, {transform_indices = #map1}]} {
    %eq3A = arith.constant 0 : i32
    %eq3A_0 = arith.cmpi eq, %arg0, %eq3A : i32
    %convert_element_type3A = arith.extui %eq3A_0 : i1 to i32
    %cond3A = arith.constant 0 : i32
    %cond3A_1 = arith.cmpi ne, %convert_element_type3A, %cond3A : i32
    scf.if %cond3A_1 {
      %broadcast_in_dim3A = arith.constant 22520 : i32
      %broadcast_in_dim3A_2 = vector.broadcast %broadcast_in_dim3A : i32 to vector<16xi32>
      %swap3A = arith.constant 0 : index
      %swap3A_3 = tpu.vector_load %arg19[%swap3A] {strides = array<i32>} : memref<128xi32, #tpu.memory_space<vmem>>, vector<16xi32>,
      %swap3A_4 = vector.shape_cast %swap3A_3 : vector<16xi32> to vector<16xi32>
      %swap3A_5 = vector.shape_cast %broadcast_in_dim3A_2 : vector<16xi32> to vector<16xi32>
      tpu.vector_store %arg19[%swap3A], %swap3A_5 {strides = array<i32>} : memref<128xi32, #tpu.memory_space<vmem>>, vector<16xi32>,
      %broadcast_in_dim3A_6 = arith.constant 22520 : i32
      %broadcast_in_dim3A_7 = vector.broadcast %broadcast_in_dim3A_6 : i32 to vector<16xi32>
      %swap3A_8 = arith.constant 16 : index
      %swap3A_9 = tpu.vector_load %arg19[%swap3A_8] {strides = array<i32>} : memref<128xi32, #tpu.memory_space<vmem>>, vector<16xi32>,
      %swap3A_10 = vector.shape_cast %swap3A_9 : vector<16xi32> to vector<16xi32>
      %swap3A_11 = vector.shape_cast %broadcast_in_dim3A_7 : vector<16xi32> to vector<16xi32>
      tpu.vector_store %arg19[%swap3A_8], %swap3A_11 {strides = array<i32>} : memref<128xi32, #tpu.memory_space<vmem>>, vector<16xi32>,
      %broadcast_in_dim3A_12 = arith.constant 22520 : i32
      %broadcast_in_dim3A_13 = vector.broadcast %broadcast_in_dim3A_12 : i32 to vector<16xi32>
      %swap3A_14 = arith.constant 32 : index
      %swap3A_15 = tpu.vector_load %arg19[%swap3A_14] {strides = array<i32>} : memref<128xi32, #tpu.memory_space<vmem>>, vector<16xi32>,
      %swap3A_16 = vector.shape_cast %swap3A_15 : vector<16xi32> to vector<16xi32>
      %swap3A_17 = vector.shape_cast %broadcast_in_dim3A_13 : vector<16xi32> to vector<16xi32>
      tpu.vector_store %arg19[%swap3A_14], %swap3A_17 {strides = array<i32>} : memref<128xi32, #tpu.memory_space<vmem>>, vector<16xi32>,
      %broadcast_in_dim3A_18 = arith.constant 22520 : i32
      %broadcast_in_dim3A_19 = vector.broadcast %broadcast_in_dim3A_18 : i32 to vector<16xi32>
      %swap3A_20 = arith.constant 48 : index
      %swap3A_21 = tpu.vector_load %arg19[%swap3A_20] {strides = array<i32>} : memref<128xi32, #tpu.memory_space<vmem>>, vector<16xi32>,
      %swap3A_22 = vector.shape_cast %swap3A_21 : vector<16xi32> to vector<16xi32>
      %swap3A_23 = vector.shape_cast %broadcast_in_dim3A_19 : vector<16xi32> to vector<16xi32>
      tpu.vector_store %arg19[%swap3A_20], %swap3A_23 {strides = array<i32>} : memref<128xi32, #tpu.memory_space<vmem>>, vector<16xi32>,
      %broadcast_in_dim3A_24 = arith.constant 22520 : i32
      %broadcast_in_dim3A_25 = vector.broadcast %broadcast_in_dim3A_24 : i32 to vector<16xi32>
      %swap3A_26 = arith.constant 64 : index
      %swap3A_27 = tpu.vector_load %arg19[%swap3A_26] {strides = array<i32>} : memref<128xi32, #tpu.memory_space<vmem>>, vector<16xi32>,
      %swap3A_28 = vector.shape_cast %swap3A_27 : vector<16xi32> to vector<16xi32>
      %swap3A_29 = vector.shape_cast %broadcast_in_dim3A_25 : vector<16xi32> to vector<16xi32>
      tpu.vector_store %arg19[%swap3A_26], %swap3A_29 {strides = array<i32>} : memref<128xi32, #tpu.memory_space<vmem>>, vector<16xi32>,
      %broadcast_in_dim3A_30 = arith.constant 22520 : i32
      %broadcast_in_dim3A_31 = vector.broadcast %broadcast_in_dim3A_30 : i32 to vector<16xi32>
      %swap3A_32 = arith.constant 80 : index
      %swap3A_33 = tpu.vector_load %arg19[%swap3A_32] {strides = array<i32>} : memref<128xi32, #tpu.memory_space<vmem>>, vector<16xi32>,
      %swap3A_34 = vector.shape_cast %swap3A_33 : vector<16xi32> to vector<16xi32>
      %swap3A_35 = vector.shape_cast %broadcast_in_dim3A_31 : vector<16xi32> to vector<16xi32>
      tpu.vector_store %arg19[%swap3A_32], %swap3A_35 {strides = array<i32>} : memref<128xi32, #tpu.memory_space<vmem>>, vector<16xi32>,
      %broadcast_in_dim3A_36 = arith.constant 22520 : i32
      %broadcast_in_dim3A_37 = vector.broadcast %broadcast_in_dim3A_36 : i32 to vector<16xi32>
      %swap3A_38 = arith.constant 96 : index
      %swap3A_39 = tpu.vector_load %arg19[%swap3A_38] {strides = array<i32>} : memref<128xi32, #tpu.memory_space<vmem>>, vector<16xi32>,
      %swap3A_40 = vector.shape_cast %swap3A_39 : vector<16xi32> to vector<16xi32>
      %swap3A_41 = vector.shape_cast %broadcast_in_dim3A_37 : vector<16xi32> to vector<16xi32>
      tpu.vector_store %arg19[%swap3A_38], %swap3A_41 {strides = array<i32>} : memref<128xi32, #tpu.memory_space<vmem>>, vector<16xi32>,
      %broadcast_in_dim3A_42 = arith.constant 22520 : i32
      %broadcast_in_dim3A_43 = vector.broadcast %broadcast_in_dim3A_42 : i32 to vector<16xi32>
      %swap3A_44 = arith.constant 112 : index
      %swap3A_45 = tpu.vector_load %arg19[%swap3A_44] {strides = array<i32>} : memref<128xi32, #tpu.memory_space<vmem>>, vector<16xi32>,
      %swap3A_46 = vector.shape_cast %swap3A_45 : vector<16xi32> to vector<16xi32>
      %swap3A_47 = vector.shape_cast %broadcast_in_dim3A_43 : vector<16xi32> to vector<16xi32>
      tpu.vector_store %arg19[%swap3A_44], %swap3A_47 {strides = array<i32>} : memref<128xi32, #tpu.memory_space<vmem>>, vector<16xi32>,
      %mul3A = arith.constant 128 : i32
      %mul3A_48 = arith.muli %arg1, %mul3A : i32
      "tpu.region"() ({
        %run_scoped3A = tpu.sem_alloc : memref<!tpu.dma_semaphore, #tpu.memory_space<semaphore_mem>>
        %dma_start3A_409 = tpu.memref_slice %arg9[%mul3A_48] : memref<2176xi32, #tpu.memory_space<hbm>> -> memref<128xi32, #tpu.memory_space<hbm>>
        %dma_start3A_410 = tpu.memref_slice %arg9[%mul3A_48] : memref<2176xi32, #tpu.memory_space<hbm>> -> memref<128xi32, #tpu.memory_space<hbm>>
        tpu.enqueue_dma source(%arg19 : memref<128xi32, #tpu.memory_space<vmem>>) target(%dma_start3A_410 : memref<128xi32, #tpu.memory_space<hbm>>) target_semaphore(%run_scoped3A : memref<!tpu.dma_semaphore, #tpu.memory_space<semaphore_mem>>)
        %dma_wait3A_411 = tpu.memref_slice %arg9[%mul3A_48] : memref<2176xi32, #tpu.memory_space<hbm>> -> memref<128xi32, #tpu.memory_space<hbm>>
        %dma_wait3A_412 = tpu.memref_slice %arg9[%mul3A_48] : memref<2176xi32, #tpu.memory_space<hbm>> -> memref<128xi32, #tpu.memory_space<hbm>>
        tpu.wait_dma2 semaphore(%run_scoped3A : memref<!tpu.dma_semaphore, #tpu.memory_space<semaphore_mem>>) src(%arg19 : memref<128xi32, #tpu.memory_space<vmem>>) dst(%dma_wait3A_412 : memref<128xi32, #tpu.memory_space<hbm>>)
        tpu.yield
      }) : () -> ()
      %eq3A_49 = arith.constant 0 : i32
      %eq3A_50 = arith.cmpi eq, %arg1, %eq3A_49 : i32
      %convert_element_type3A_51 = arith.extui %eq3A_50 : i1 to i32
      %cond3A_52 = arith.constant 0 : i32
      %cond3A_53 = arith.cmpi ne, %convert_element_type3A_51, %cond3A_52 : i32
      scf.if %cond3A_53 {
        "tpu.region"() ({
          %run_scoped3A = tpu.sem_alloc : memref<!tpu.dma_semaphore, #tpu.memory_space<semaphore_mem>>
          %dma_start3A_409 = arith.constant 2048 : i32
          %dma_start3A_410 = tpu.memref_slice %arg9[%dma_start3A_409] : memref<2176xi32, #tpu.memory_space<hbm>> -> memref<128xi32, #tpu.memory_space<hbm>>
          %dma_start3A_411 = arith.constant 2048 : i32
          %dma_start3A_412 = tpu.memref_slice %arg9[%dma_start3A_411] : memref<2176xi32, #tpu.memory_space<hbm>> -> memref<128xi32, #tpu.memory_space<hbm>>
          tpu.enqueue_dma source(%arg19 : memref<128xi32, #tpu.memory_space<vmem>>) target(%dma_start3A_412 : memref<128xi32, #tpu.memory_space<hbm>>) target_semaphore(%run_scoped3A : memref<!tpu.dma_semaphore, #tpu.memory_space<semaphore_mem>>)
          %dma_wait3A_413 = arith.constant 2048 : i32
          %dma_wait3A_414 = tpu.memref_slice %arg9[%dma_wait3A_413] : memref<2176xi32, #tpu.memory_space<hbm>> -> memref<128xi32, #tpu.memory_space<hbm>>
          %dma_wait3A_415 = arith.constant 2048 : i32
          %dma_wait3A_416 = tpu.memref_slice %arg9[%dma_wait3A_415] : memref<2176xi32, #tpu.memory_space<hbm>> -> memref<128xi32, #tpu.memory_space<hbm>>
          tpu.wait_dma2 semaphore(%run_scoped3A : memref<!tpu.dma_semaphore, #tpu.memory_space<semaphore_mem>>) src(%arg19 : memref<128xi32, #tpu.memory_space<vmem>>) dst(%dma_wait3A_416 : memref<128xi32, #tpu.memory_space<hbm>>)
          tpu.yield
        }) : () -> ()
      } else {
      }
      %barrier3A = arith.constant 0 : index
      tpu.barrier barrier_id(%barrier3A)
      %mul3A_54 = arith.constant 16 : i32
      %mul3A_55 = arith.muli %arg1, %mul3A_54 : i32
      "tpu.region"() ({
        %run_scoped3A = tpu.sem_alloc : memref<!tpu.dma_semaphore, #tpu.memory_space<semaphore_mem>>
        %dma_start3A_409 = arith.constant 0 : i32
        %dma_start3A_410 = tpu.memref_slice %arg2[%mul3A_55, %dma_start3A_409] : memref<256x128xi32, #tpu.memory_space<hbm>> -> memref<16x128xi32, #tpu.memory_space<hbm>>
        %dma_start3A_411 = arith.constant 0 : i32
        %dma_start3A_412 = tpu.memref_slice %arg2[%mul3A_55, %dma_start3A_411] : memref<256x128xi32, #tpu.memory_space<hbm>> -> memref<16x128xi32, #tpu.memory_space<hbm>>
        tpu.enqueue_dma source(%dma_start3A_412 : memref<16x128xi32, #tpu.memory_space<hbm>>) target(%arg15 : memref<16x128xi32, #tpu.memory_space<vmem>>) target_semaphore(%run_scoped3A : memref<!tpu.dma_semaphore, #tpu.memory_space<semaphore_mem>>)
        %dma_wait3A_413 = arith.constant 0 : i32
        %dma_wait3A_414 = tpu.memref_slice %arg2[%mul3A_55, %dma_wait3A_413] : memref<256x128xi32, #tpu.memory_space<hbm>> -> memref<16x128xi32, #tpu.memory_space<hbm>>
        %dma_wait3A_415 = arith.constant 0 : i32
        %dma_wait3A_416 = tpu.memref_slice %arg2[%mul3A_55, %dma_wait3A_415] : memref<256x128xi32, #tpu.memory_space<hbm>> -> memref<16x128xi32, #tpu.memory_space<hbm>>
        tpu.wait_dma2 semaphore(%run_scoped3A : memref<!tpu.dma_semaphore, #tpu.memory_space<semaphore_mem>>) src(%dma_wait3A_416 : memref<16x128xi32, #tpu.memory_space<hbm>>) dst(%arg15 : memref<16x128xi32, #tpu.memory_space<vmem>>)
        tpu.yield
      }) : () -> ()
      %mul3A_56 = arith.constant 16 : i32
      %mul3A_57 = arith.muli %arg1, %mul3A_56 : i32
      "tpu.region"() ({
        %run_scoped3A = tpu.sem_alloc : memref<!tpu.dma_semaphore, #tpu.memory_space<semaphore_mem>>
        %dma_start3A_409 = arith.constant 0 : i32
        %dma_start3A_410 = tpu.memref_slice %arg3[%mul3A_57, %dma_start3A_409] : memref<256x128xi32, #tpu.memory_space<hbm>> -> memref<16x128xi32, #tpu.memory_space<hbm>>
        %dma_start3A_411 = arith.constant 0 : i32
        %dma_start3A_412 = tpu.memref_slice %arg3[%mul3A_57, %dma_start3A_411] : memref<256x128xi32, #tpu.memory_space<hbm>> -> memref<16x128xi32, #tpu.memory_space<hbm>>
        tpu.enqueue_dma source(%dma_start3A_412 : memref<16x128xi32, #tpu.memory_space<hbm>>) target(%arg16 : memref<16x128xi32, #tpu.memory_space<vmem>>) target_semaphore(%run_scoped3A : memref<!tpu.dma_semaphore, #tpu.memory_space<semaphore_mem>>)
        %dma_wait3A_413 = arith.constant 0 : i32
        %dma_wait3A_414 = tpu.memref_slice %arg3[%mul3A_57, %dma_wait3A_413] : memref<256x128xi32, #tpu.memory_space<hbm>> -> memref<16x128xi32, #tpu.memory_space<hbm>>
        %dma_wait3A_415 = arith.constant 0 : i32
        %dma_wait3A_416 = tpu.memref_slice %arg3[%mul3A_57, %dma_wait3A_415] : memref<256x128xi32, #tpu.memory_space<hbm>> -> memref<16x128xi32, #tpu.memory_space<hbm>>
        tpu.wait_dma2 semaphore(%run_scoped3A : memref<!tpu.dma_semaphore, #tpu.memory_space<semaphore_mem>>) src(%dma_wait3A_416 : memref<16x128xi32, #tpu.memory_space<hbm>>) dst(%arg16 : memref<16x128xi32, #tpu.memory_space<vmem>>)
        tpu.yield
      }) : () -> ()
      %dma_start3A = arith.constant 0 : i32
      %dma_start3A_58 = arith.constant 0 : i32
      %dma_start3A_59 = arith.constant 0 : i32
      %dma_start3A_60 = tpu.memref_slice %arg16[%dma_start3A, %dma_start3A_59] : memref<16x128xi32, #tpu.memory_space<vmem>> -> memref<1x128xi32, #tpu.memory_space<vmem>>
      %dma_start3A_61 = tpu.memref_squeeze %dma_start3A_60 : memref<1x128xi32, #tpu.memory_space<vmem>> -> memref<128xi32, #tpu.memory_space<vmem>>
      %dma_start3A_62 = arith.constant 0 : i32
      %dma_start3A_63 = tpu.memref_slice %arg15[%dma_start3A_58, %dma_start3A_62] : memref<16x128xi32, #tpu.memory_space<vmem>> -> memref<1x128xi32, #tpu.memory_space<vmem>>
      %dma_start3A_64 = tpu.memref_squeeze %dma_start3A_63 : memref<1x128xi32, #tpu.memory_space<vmem>> -> memref<128xi32, #tpu.memory_space<vmem>>
      %dma_start3A_65 = arith.constant 0 : i32
      %dma_start3A_66 = tpu.memref_slice %arg9[%dma_start3A_65] : memref<2176xi32, #tpu.memory_space<hbm>> -> memref<2176xi32, #tpu.memory_space<hbm>>
      tpu.enqueue_indirect_dma source(%dma_start3A_61 : memref<128xi32, #tpu.memory_space<vmem>>) target(%dma_start3A_66 : memref<2176xi32, #tpu.memory_space<hbm>>) offsets(%dma_start3A_64 : memref<128xi32, #tpu.memory_space<vmem>>) semaphore(%arg20 : memref<!tpu.dma_semaphore, #tpu.memory_space<semaphore_mem>>)
      %dma_wait3A = arith.constant 0 : i32
      %dma_wait3A_67 = arith.constant 0 : i32
      %dma_wait3A_68 = arith.constant 0 : i32
      %dma_wait3A_69 = tpu.memref_slice %arg16[%dma_wait3A, %dma_wait3A_68] : memref<16x128xi32, #tpu.memory_space<vmem>> -> memref<1x128xi32, #tpu.memory_space<vmem>>
      %dma_wait3A_70 = tpu.memref_squeeze %dma_wait3A_69 : memref<1x128xi32, #tpu.memory_space<vmem>> -> memref<128xi32, #tpu.memory_space<vmem>>
      %dma_wait3A_71 = arith.constant 0 : i32
      %dma_wait3A_72 = tpu.memref_slice %arg15[%dma_wait3A_67, %dma_wait3A_71] : memref<16x128xi32, #tpu.memory_space<vmem>> -> memref<1x128xi32, #tpu.memory_space<vmem>>
      %dma_wait3A_73 = tpu.memref_squeeze %dma_wait3A_72 : memref<1x128xi32, #tpu.memory_space<vmem>> -> memref<128xi32, #tpu.memory_space<vmem>>
      %dma_wait3A_74 = arith.constant 0 : i32
      %dma_wait3A_75 = tpu.memref_slice %arg9[%dma_wait3A_74] : memref<2176xi32, #tpu.memory_space<hbm>> -> memref<2176xi32, #tpu.memory_space<hbm>>
      tpu.wait_indirect_dma semaphore(%arg20 : memref<!tpu.dma_semaphore, #tpu.memory_space<semaphore_mem>>) src(%dma_wait3A_70 : memref<128xi32, #tpu.memory_space<vmem>>) dst(%dma_wait3A_75 : memref<2176xi32, #tpu.memory_space<hbm>>)
      %dma_start3A_76 = arith.constant 1 : i32
      %dma_start3A_77 = arith.constant 1 : i32
      %dma_start3A_78 = arith.constant 0 : i32
      %dma_start3A_79 = tpu.memref_slice %arg16[%dma_start3A_76, %dma_start3A_78] : memref<16x128xi32, #tpu.memory_space<vmem>> -> memref<1x128xi32, #tpu.memory_space<vmem>>
      %dma_start3A_80 = tpu.memref_squeeze %dma_start3A_79 : memref<1x128xi32, #tpu.memory_space<vmem>> -> memref<128xi32, #tpu.memory_space<vmem>>
      %dma_start3A_81 = arith.constant 0 : i32
      %dma_start3A_82 = tpu.memref_slice %arg15[%dma_start3A_77, %dma_start3A_81] : memref<16x128xi32, #tpu.memory_space<vmem>> -> memref<1x128xi32, #tpu.memory_space<vmem>>
      %dma_start3A_83 = tpu.memref_squeeze %dma_start3A_82 : memref<1x128xi32, #tpu.memory_space<vmem>> -> memref<128xi32, #tpu.memory_space<vmem>>
      %dma_start3A_84 = arith.constant 0 : i32
      %dma_start3A_85 = tpu.memref_slice %arg9[%dma_start3A_84] : memref<2176xi32, #tpu.memory_space<hbm>> -> memref<2176xi32, #tpu.memory_space<hbm>>
      tpu.enqueue_indirect_dma source(%dma_start3A_80 : memref<128xi32, #tpu.memory_space<vmem>>) target(%dma_start3A_85 : memref<2176xi32, #tpu.memory_space<hbm>>) offsets(%dma_start3A_83 : memref<128xi32, #tpu.memory_space<vmem>>) semaphore(%arg20 : memref<!tpu.dma_semaphore, #tpu.memory_space<semaphore_mem>>)
      %dma_wait3A_86 = arith.constant 1 : i32
      %dma_wait3A_87 = arith.constant 1 : i32
      %dma_wait3A_88 = arith.constant 0 : i32
      %dma_wait3A_89 = tpu.memref_slice %arg16[%dma_wait3A_86, %dma_wait3A_88] : memref<16x128xi32, #tpu.memory_space<vmem>> -> memref<1x128xi32, #tpu.memory_space<vmem>>
      %dma_wait3A_90 = tpu.memref_squeeze %dma_wait3A_89 : memref<1x128xi32, #tpu.memory_space<vmem>> -> memref<128xi32, #tpu.memory_space<vmem>>
      %dma_wait3A_91 = arith.constant 0 : i32
      %dma_wait3A_92 = tpu.memref_slice %arg15[%dma_wait3A_87, %dma_wait3A_91] : memref<16x128xi32, #tpu.memory_space<vmem>> -> memref<1x128xi32, #tpu.memory_space<vmem>>
      %dma_wait3A_93 = tpu.memref_squeeze %dma_wait3A_92 : memref<1x128xi32, #tpu.memory_space<vmem>> -> memref<128xi32, #tpu.memory_space<vmem>>
      %dma_wait3A_94 = arith.constant 0 : i32
      %dma_wait3A_95 = tpu.memref_slice %arg9[%dma_wait3A_94] : memref<2176xi32, #tpu.memory_space<hbm>> -> memref<2176xi32, #tpu.memory_space<hbm>>
      tpu.wait_indirect_dma semaphore(%arg20 : memref<!tpu.dma_semaphore, #tpu.memory_space<semaphore_mem>>) src(%dma_wait3A_90 : memref<128xi32, #tpu.memory_space<vmem>>) dst(%dma_wait3A_95 : memref<2176xi32, #tpu.memory_space<hbm>>)
      %dma_start3A_96 = arith.constant 2 : i32
      %dma_start3A_97 = arith.constant 2 : i32
      %dma_start3A_98 = arith.constant 0 : i32
      %dma_start3A_99 = tpu.memref_slice %arg16[%dma_start3A_96, %dma_start3A_98] : memref<16x128xi32, #tpu.memory_space<vmem>> -> memref<1x128xi32, #tpu.memory_space<vmem>>
      %dma_start3A_100 = tpu.memref_squeeze %dma_start3A_99 : memref<1x128xi32, #tpu.memory_space<vmem>> -> memref<128xi32, #tpu.memory_space<vmem>>
      %dma_start3A_101 = arith.constant 0 : i32
      %dma_start3A_102 = tpu.memref_slice %arg15[%dma_start3A_97, %dma_start3A_101] : memref<16x128xi32, #tpu.memory_space<vmem>> -> memref<1x128xi32, #tpu.memory_space<vmem>>
      %dma_start3A_103 = tpu.memref_squeeze %dma_start3A_102 : memref<1x128xi32, #tpu.memory_space<vmem>> -> memref<128xi32, #tpu.memory_space<vmem>>
      %dma_start3A_104 = arith.constant 0 : i32
      %dma_start3A_105 = tpu.memref_slice %arg9[%dma_start3A_104] : memref<2176xi32, #tpu.memory_space<hbm>> -> memref<2176xi32, #tpu.memory_space<hbm>>
      tpu.enqueue_indirect_dma source(%dma_start3A_100 : memref<128xi32, #tpu.memory_space<vmem>>) target(%dma_start3A_105 : memref<2176xi32, #tpu.memory_space<hbm>>) offsets(%dma_start3A_103 : memref<128xi32, #tpu.memory_space<vmem>>) semaphore(%arg20 : memref<!tpu.dma_semaphore, #tpu.memory_space<semaphore_mem>>)
      %dma_wait3A_106 = arith.constant 2 : i32
      %dma_wait3A_107 = arith.constant 2 : i32
      %dma_wait3A_108 = arith.constant 0 : i32
      %dma_wait3A_109 = tpu.memref_slice %arg16[%dma_wait3A_106, %dma_wait3A_108] : memref<16x128xi32, #tpu.memory_space<vmem>> -> memref<1x128xi32, #tpu.memory_space<vmem>>
      %dma_wait3A_110 = tpu.memref_squeeze %dma_wait3A_109 : memref<1x128xi32, #tpu.memory_space<vmem>> -> memref<128xi32, #tpu.memory_space<vmem>>
      %dma_wait3A_111 = arith.constant 0 : i32
      %dma_wait3A_112 = tpu.memref_slice %arg15[%dma_wait3A_107, %dma_wait3A_111] : memref<16x128xi32, #tpu.memory_space<vmem>> -> memref<1x128xi32, #tpu.memory_space<vmem>>
      %dma_wait3A_113 = tpu.memref_squeeze %dma_wait3A_112 : memref<1x128xi32, #tpu.memory_space<vmem>> -> memref<128xi32, #tpu.memory_space<vmem>>
      %dma_wait3A_114 = arith.constant 0 : i32
      %dma_wait3A_115 = tpu.memref_slice %arg9[%dma_wait3A_114] : memref<2176xi32, #tpu.memory_space<hbm>> -> memref<2176xi32, #tpu.memory_space<hbm>>
      tpu.wait_indirect_dma semaphore(%arg20 : memref<!tpu.dma_semaphore, #tpu.memory_space<semaphore_mem>>) src(%dma_wait3A_110 : memref<128xi32, #tpu.memory_space<vmem>>) dst(%dma_wait3A_115 : memref<2176xi32, #tpu.memory_space<hbm>>)
      %dma_start3A_116 = arith.constant 3 : i32
      %dma_start3A_117 = arith.constant 3 : i32
      %dma_start3A_118 = arith.constant 0 : i32
      %dma_start3A_119 = tpu.memref_slice %arg16[%dma_start3A_116, %dma_start3A_118] : memref<16x128xi32, #tpu.memory_space<vmem>> -> memref<1x128xi32, #tpu.memory_space<vmem>>
      %dma_start3A_120 = tpu.memref_squeeze %dma_start3A_119 : memref<1x128xi32, #tpu.memory_space<vmem>> -> memref<128xi32, #tpu.memory_space<vmem>>
      %dma_start3A_121 = arith.constant 0 : i32
      %dma_start3A_122 = tpu.memref_slice %arg15[%dma_start3A_117, %dma_start3A_121] : memref<16x128xi32, #tpu.memory_space<vmem>> -> memref<1x128xi32, #tpu.memory_space<vmem>>
      %dma_start3A_123 = tpu.memref_squeeze %dma_start3A_122 : memref<1x128xi32, #tpu.memory_space<vmem>> -> memref<128xi32, #tpu.memory_space<vmem>>
      %dma_start3A_124 = arith.constant 0 : i32
      %dma_start3A_125 = tpu.memref_slice %arg9[%dma_start3A_124] : memref<2176xi32, #tpu.memory_space<hbm>> -> memref<2176xi32, #tpu.memory_space<hbm>>
      tpu.enqueue_indirect_dma source(%dma_start3A_120 : memref<128xi32, #tpu.memory_space<vmem>>) target(%dma_start3A_125 : memref<2176xi32, #tpu.memory_space<hbm>>) offsets(%dma_start3A_123 : memref<128xi32, #tpu.memory_space<vmem>>) semaphore(%arg20 : memref<!tpu.dma_semaphore, #tpu.memory_space<semaphore_mem>>)
      %dma_wait3A_126 = arith.constant 3 : i32
      %dma_wait3A_127 = arith.constant 3 : i32
      %dma_wait3A_128 = arith.constant 0 : i32
      %dma_wait3A_129 = tpu.memref_slice %arg16[%dma_wait3A_126, %dma_wait3A_128] : memref<16x128xi32, #tpu.memory_space<vmem>> -> memref<1x128xi32, #tpu.memory_space<vmem>>
      %dma_wait3A_130 = tpu.memref_squeeze %dma_wait3A_129 : memref<1x128xi32, #tpu.memory_space<vmem>> -> memref<128xi32, #tpu.memory_space<vmem>>
      %dma_wait3A_131 = arith.constant 0 : i32
      %dma_wait3A_132 = tpu.memref_slice %arg15[%dma_wait3A_127, %dma_wait3A_131] : memref<16x128xi32, #tpu.memory_space<vmem>> -> memref<1x128xi32, #tpu.memory_space<vmem>>
      %dma_wait3A_133 = tpu.memref_squeeze %dma_wait3A_132 : memref<1x128xi32, #tpu.memory_space<vmem>> -> memref<128xi32, #tpu.memory_space<vmem>>
      %dma_wait3A_134 = arith.constant 0 : i32
      %dma_wait3A_135 = tpu.memref_slice %arg9[%dma_wait3A_134] : memref<2176xi32, #tpu.memory_space<hbm>> -> memref<2176xi32, #tpu.memory_space<hbm>>
      tpu.wait_indirect_dma semaphore(%arg20 : memref<!tpu.dma_semaphore, #tpu.memory_space<semaphore_mem>>) src(%dma_wait3A_130 : memref<128xi32, #tpu.memory_space<vmem>>) dst(%dma_wait3A_135 : memref<2176xi32, #tpu.memory_space<hbm>>)
      %dma_start3A_136 = arith.constant 4 : i32
      %dma_start3A_137 = arith.constant 4 : i32
      %dma_start3A_138 = arith.constant 0 : i32
      %dma_start3A_139 = tpu.memref_slice %arg16[%dma_start3A_136, %dma_start3A_138] : memref<16x128xi32, #tpu.memory_space<vmem>> -> memref<1x128xi32, #tpu.memory_space<vmem>>
      %dma_start3A_140 = tpu.memref_squeeze %dma_start3A_139 : memref<1x128xi32, #tpu.memory_space<vmem>> -> memref<128xi32, #tpu.memory_space<vmem>>
      %dma_start3A_141 = arith.constant 0 : i32
      %dma_start3A_142 = tpu.memref_slice %arg15[%dma_start3A_137, %dma_start3A_141] : memref<16x128xi32, #tpu.memory_space<vmem>> -> memref<1x128xi32, #tpu.memory_space<vmem>>
      %dma_start3A_143 = tpu.memref_squeeze %dma_start3A_142 : memref<1x128xi32, #tpu.memory_space<vmem>> -> memref<128xi32, #tpu.memory_space<vmem>>
      %dma_start3A_144 = arith.constant 0 : i32
      %dma_start3A_145 = tpu.memref_slice %arg9[%dma_start3A_144] : memref<2176xi32, #tpu.memory_space<hbm>> -> memref<2176xi32, #tpu.memory_space<hbm>>
      tpu.enqueue_indirect_dma source(%dma_start3A_140 : memref<128xi32, #tpu.memory_space<vmem>>) target(%dma_start3A_145 : memref<2176xi32, #tpu.memory_space<hbm>>) offsets(%dma_start3A_143 : memref<128xi32, #tpu.memory_space<vmem>>) semaphore(%arg20 : memref<!tpu.dma_semaphore, #tpu.memory_space<semaphore_mem>>)
      %dma_wait3A_146 = arith.constant 4 : i32
      %dma_wait3A_147 = arith.constant 4 : i32
      %dma_wait3A_148 = arith.constant 0 : i32
      %dma_wait3A_149 = tpu.memref_slice %arg16[%dma_wait3A_146, %dma_wait3A_148] : memref<16x128xi32, #tpu.memory_space<vmem>> -> memref<1x128xi32, #tpu.memory_space<vmem>>
      %dma_wait3A_150 = tpu.memref_squeeze %dma_wait3A_149 : memref<1x128xi32, #tpu.memory_space<vmem>> -> memref<128xi32, #tpu.memory_space<vmem>>
      %dma_wait3A_151 = arith.constant 0 : i32
      %dma_wait3A_152 = tpu.memref_slice %arg15[%dma_wait3A_147, %dma_wait3A_151] : memref<16x128xi32, #tpu.memory_space<vmem>> -> memref<1x128xi32, #tpu.memory_space<vmem>>
      %dma_wait3A_153 = tpu.memref_squeeze %dma_wait3A_152 : memref<1x128xi32, #tpu.memory_space<vmem>> -> memref<128xi32, #tpu.memory_space<vmem>>
      %dma_wait3A_154 = arith.constant 0 : i32
      %dma_wait3A_155 = tpu.memref_slice %arg9[%dma_wait3A_154] : memref<2176xi32, #tpu.memory_space<hbm>> -> memref<2176xi32, #tpu.memory_space<hbm>>
      tpu.wait_indirect_dma semaphore(%arg20 : memref<!tpu.dma_semaphore, #tpu.memory_space<semaphore_mem>>) src(%dma_wait3A_150 : memref<128xi32, #tpu.memory_space<vmem>>) dst(%dma_wait3A_155 : memref<2176xi32, #tpu.memory_space<hbm>>)
      %dma_start3A_156 = arith.constant 5 : i32
      %dma_start3A_157 = arith.constant 5 : i32
      %dma_start3A_158 = arith.constant 0 : i32
      %dma_start3A_159 = tpu.memref_slice %arg16[%dma_start3A_156, %dma_start3A_158] : memref<16x128xi32, #tpu.memory_space<vmem>> -> memref<1x128xi32, #tpu.memory_space<vmem>>
      %dma_start3A_160 = tpu.memref_squeeze %dma_start3A_159 : memref<1x128xi32, #tpu.memory_space<vmem>> -> memref<128xi32, #tpu.memory_space<vmem>>
      %dma_start3A_161 = arith.constant 0 : i32
      %dma_start3A_162 = tpu.memref_slice %arg15[%dma_start3A_157, %dma_start3A_161] : memref<16x128xi32, #tpu.memory_space<vmem>> -> memref<1x128xi32, #tpu.memory_space<vmem>>
      %dma_start3A_163 = tpu.memref_squeeze %dma_start3A_162 : memref<1x128xi32, #tpu.memory_space<vmem>> -> memref<128xi32, #tpu.memory_space<vmem>>
      %dma_start3A_164 = arith.constant 0 : i32
      %dma_start3A_165 = tpu.memref_slice %arg9[%dma_start3A_164] : memref<2176xi32, #tpu.memory_space<hbm>> -> memref<2176xi32, #tpu.memory_space<hbm>>
      tpu.enqueue_indirect_dma source(%dma_start3A_160 : memref<128xi32, #tpu.memory_space<vmem>>) target(%dma_start3A_165 : memref<2176xi32, #tpu.memory_space<hbm>>) offsets(%dma_start3A_163 : memref<128xi32, #tpu.memory_space<vmem>>) semaphore(%arg20 : memref<!tpu.dma_semaphore, #tpu.memory_space<semaphore_mem>>)
      %dma_wait3A_166 = arith.constant 5 : i32
      %dma_wait3A_167 = arith.constant 5 : i32
      %dma_wait3A_168 = arith.constant 0 : i32
      %dma_wait3A_169 = tpu.memref_slice %arg16[%dma_wait3A_166, %dma_wait3A_168] : memref<16x128xi32, #tpu.memory_space<vmem>> -> memref<1x128xi32, #tpu.memory_space<vmem>>
      %dma_wait3A_170 = tpu.memref_squeeze %dma_wait3A_169 : memref<1x128xi32, #tpu.memory_space<vmem>> -> memref<128xi32, #tpu.memory_space<vmem>>
      %dma_wait3A_171 = arith.constant 0 : i32
      %dma_wait3A_172 = tpu.memref_slice %arg15[%dma_wait3A_167, %dma_wait3A_171] : memref<16x128xi32, #tpu.memory_space<vmem>> -> memref<1x128xi32, #tpu.memory_space<vmem>>
      %dma_wait3A_173 = tpu.memref_squeeze %dma_wait3A_172 : memref<1x128xi32, #tpu.memory_space<vmem>> -> memref<128xi32, #tpu.memory_space<vmem>>
      %dma_wait3A_174 = arith.constant 0 : i32
      %dma_wait3A_175 = tpu.memref_slice %arg9[%dma_wait3A_174] : memref<2176xi32, #tpu.memory_space<hbm>> -> memref<2176xi32, #tpu.memory_space<hbm>>
      tpu.wait_indirect_dma semaphore(%arg20 : memref<!tpu.dma_semaphore, #tpu.memory_space<semaphore_mem>>) src(%dma_wait3A_170 : memref<128xi32, #tpu.memory_space<vmem>>) dst(%dma_wait3A_175 : memref<2176xi32, #tpu.memory_space<hbm>>)
      %dma_start3A_176 = arith.constant 6 : i32
      %dma_start3A_177 = arith.constant 6 : i32
      %dma_start3A_178 = arith.constant 0 : i32
      %dma_start3A_179 = tpu.memref_slice %arg16[%dma_start3A_176, %dma_start3A_178] : memref<16x128xi32, #tpu.memory_space<vmem>> -> memref<1x128xi32, #tpu.memory_space<vmem>>
      %dma_start3A_180 = tpu.memref_squeeze %dma_start3A_179 : memref<1x128xi32, #tpu.memory_space<vmem>> -> memref<128xi32, #tpu.memory_space<vmem>>
      %dma_start3A_181 = arith.constant 0 : i32
      %dma_start3A_182 = tpu.memref_slice %arg15[%dma_start3A_177, %dma_start3A_181] : memref<16x128xi32, #tpu.memory_space<vmem>> -> memref<1x128xi32, #tpu.memory_space<vmem>>
      %dma_start3A_183 = tpu.memref_squeeze %dma_start3A_182 : memref<1x128xi32, #tpu.memory_space<vmem>> -> memref<128xi32, #tpu.memory_space<vmem>>
      %dma_start3A_184 = arith.constant 0 : i32
      %dma_start3A_185 = tpu.memref_slice %arg9[%dma_start3A_184] : memref<2176xi32, #tpu.memory_space<hbm>> -> memref<2176xi32, #tpu.memory_space<hbm>>
      tpu.enqueue_indirect_dma source(%dma_start3A_180 : memref<128xi32, #tpu.memory_space<vmem>>) target(%dma_start3A_185 : memref<2176xi32, #tpu.memory_space<hbm>>) offsets(%dma_start3A_183 : memref<128xi32, #tpu.memory_space<vmem>>) semaphore(%arg20 : memref<!tpu.dma_semaphore, #tpu.memory_space<semaphore_mem>>)
      %dma_wait3A_186 = arith.constant 6 : i32
      %dma_wait3A_187 = arith.constant 6 : i32
      %dma_wait3A_188 = arith.constant 0 : i32
      %dma_wait3A_189 = tpu.memref_slice %arg16[%dma_wait3A_186, %dma_wait3A_188] : memref<16x128xi32, #tpu.memory_space<vmem>> -> memref<1x128xi32, #tpu.memory_space<vmem>>
      %dma_wait3A_190 = tpu.memref_squeeze %dma_wait3A_189 : memref<1x128xi32, #tpu.memory_space<vmem>> -> memref<128xi32, #tpu.memory_space<vmem>>
      %dma_wait3A_191 = arith.constant 0 : i32
      %dma_wait3A_192 = tpu.memref_slice %arg15[%dma_wait3A_187, %dma_wait3A_191] : memref<16x128xi32, #tpu.memory_space<vmem>> -> memref<1x128xi32, #tpu.memory_space<vmem>>
      %dma_wait3A_193 = tpu.memref_squeeze %dma_wait3A_192 : memref<1x128xi32, #tpu.memory_space<vmem>> -> memref<128xi32, #tpu.memory_space<vmem>>
      %dma_wait3A_194 = arith.constant 0 : i32
      %dma_wait3A_195 = tpu.memref_slice %arg9[%dma_wait3A_194] : memref<2176xi32, #tpu.memory_space<hbm>> -> memref<2176xi32, #tpu.memory_space<hbm>>
      tpu.wait_indirect_dma semaphore(%arg20 : memref<!tpu.dma_semaphore, #tpu.memory_space<semaphore_mem>>) src(%dma_wait3A_190 : memref<128xi32, #tpu.memory_space<vmem>>) dst(%dma_wait3A_195 : memref<2176xi32, #tpu.memory_space<hbm>>)
      %dma_start3A_196 = arith.constant 7 : i32
      %dma_start3A_197 = arith.constant 7 : i32
      %dma_start3A_198 = arith.constant 0 : i32
      %dma_start3A_199 = tpu.memref_slice %arg16[%dma_start3A_196, %dma_start3A_198] : memref<16x128xi32, #tpu.memory_space<vmem>> -> memref<1x128xi32, #tpu.memory_space<vmem>>
      %dma_start3A_200 = tpu.memref_squeeze %dma_start3A_199 : memref<1x128xi32, #tpu.memory_space<vmem>> -> memref<128xi32, #tpu.memory_space<vmem>>
      %dma_start3A_201 = arith.constant 0 : i32
      %dma_start3A_202 = tpu.memref_slice %arg15[%dma_start3A_197, %dma_start3A_201] : memref<16x128xi32, #tpu.memory_space<vmem>> -> memref<1x128xi32, #tpu.memory_space<vmem>>
      %dma_start3A_203 = tpu.memref_squeeze %dma_start3A_202 : memref<1x128xi32, #tpu.memory_space<vmem>> -> memref<128xi32, #tpu.memory_space<vmem>>
      %dma_start3A_204 = arith.constant 0 : i32
      %dma_start3A_205 = tpu.memref_slice %arg9[%dma_start3A_204] : memref<2176xi32, #tpu.memory_space<hbm>> -> memref<2176xi32, #tpu.memory_space<hbm>>
      tpu.enqueue_indirect_dma source(%dma_start3A_200 : memref<128xi32, #tpu.memory_space<vmem>>) target(%dma_start3A_205 : memref<2176xi32, #tpu.memory_space<hbm>>) offsets(%dma_start3A_203 : memref<128xi32, #tpu.memory_space<vmem>>) semaphore(%arg20 : memref<!tpu.dma_semaphore, #tpu.memory_space<semaphore_mem>>)
      %dma_wait3A_206 = arith.constant 7 : i32
      %dma_wait3A_207 = arith.constant 7 : i32
      %dma_wait3A_208 = arith.constant 0 : i32
      %dma_wait3A_209 = tpu.memref_slice %arg16[%dma_wait3A_206, %dma_wait3A_208] : memref<16x128xi32, #tpu.memory_space<vmem>> -> memref<1x128xi32, #tpu.memory_space<vmem>>
      %dma_wait3A_210 = tpu.memref_squeeze %dma_wait3A_209 : memref<1x128xi32, #tpu.memory_space<vmem>> -> memref<128xi32, #tpu.memory_space<vmem>>
      %dma_wait3A_211 = arith.constant 0 : i32
      %dma_wait3A_212 = tpu.memref_slice %arg15[%dma_wait3A_207, %dma_wait3A_211] : memref<16x128xi32, #tpu.memory_space<vmem>> -> memref<1x128xi32, #tpu.memory_space<vmem>>
      %dma_wait3A_213 = tpu.memref_squeeze %dma_wait3A_212 : memref<1x128xi32, #tpu.memory_space<vmem>> -> memref<128xi32, #tpu.memory_space<vmem>>
      %dma_wait3A_214 = arith.constant 0 : i32
      %dma_wait3A_215 = tpu.memref_slice %arg9[%dma_wait3A_214] : memref<2176xi32, #tpu.memory_space<hbm>> -> memref<2176xi32, #tpu.memory_space<hbm>>
      tpu.wait_indirect_dma semaphore(%arg20 : memref<!tpu.dma_semaphore, #tpu.memory_space<semaphore_mem>>) src(%dma_wait3A_210 : memref<128xi32, #tpu.memory_space<vmem>>) dst(%dma_wait3A_215 : memref<2176xi32, #tpu.memory_space<hbm>>)
      %dma_start3A_216 = arith.constant 8 : i32
      %dma_start3A_217 = arith.constant 8 : i32
      %dma_start3A_218 = arith.constant 0 : i32
      %dma_start3A_219 = tpu.memref_slice %arg16[%dma_start3A_216, %dma_start3A_218] : memref<16x128xi32, #tpu.memory_space<vmem>> -> memref<1x128xi32, #tpu.memory_space<vmem>>
      %dma_start3A_220 = tpu.memref_squeeze %dma_start3A_219 : memref<1x128xi32, #tpu.memory_space<vmem>> -> memref<128xi32, #tpu.memory_space<vmem>>
      %dma_start3A_221 = arith.constant 0 : i32
      %dma_start3A_222 = tpu.memref_slice %arg15[%dma_start3A_217, %dma_start3A_221] : memref<16x128xi32, #tpu.memory_space<vmem>> -> memref<1x128xi32, #tpu.memory_space<vmem>>
      %dma_start3A_223 = tpu.memref_squeeze %dma_start3A_222 : memref<1x128xi32, #tpu.memory_space<vmem>> -> memref<128xi32, #tpu.memory_space<vmem>>
      %dma_start3A_224 = arith.constant 0 : i32
      %dma_start3A_225 = tpu.memref_slice %arg9[%dma_start3A_224] : memref<2176xi32, #tpu.memory_space<hbm>> -> memref<2176xi32, #tpu.memory_space<hbm>>
      tpu.enqueue_indirect_dma source(%dma_start3A_220 : memref<128xi32, #tpu.memory_space<vmem>>) target(%dma_start3A_225 : memref<2176xi32, #tpu.memory_space<hbm>>) offsets(%dma_start3A_223 : memref<128xi32, #tpu.memory_space<vmem>>) semaphore(%arg20 : memref<!tpu.dma_semaphore, #tpu.memory_space<semaphore_mem>>)
      %dma_wait3A_226 = arith.constant 8 : i32
      %dma_wait3A_227 = arith.constant 8 : i32
      %dma_wait3A_228 = arith.constant 0 : i32
      %dma_wait3A_229 = tpu.memref_slice %arg16[%dma_wait3A_226, %dma_wait3A_228] : memref<16x128xi32, #tpu.memory_space<vmem>> -> memref<1x128xi32, #tpu.memory_space<vmem>>
      %dma_wait3A_230 = tpu.memref_squeeze %dma_wait3A_229 : memref<1x128xi32, #tpu.memory_space<vmem>> -> memref<128xi32, #tpu.memory_space<vmem>>
      %dma_wait3A_231 = arith.constant 0 : i32
      %dma_wait3A_232 = tpu.memref_slice %arg15[%dma_wait3A_227, %dma_wait3A_231] : memref<16x128xi32, #tpu.memory_space<vmem>> -> memref<1x128xi32, #tpu.memory_space<vmem>>
      %dma_wait3A_233 = tpu.memref_squeeze %dma_wait3A_232 : memref<1x128xi32, #tpu.memory_space<vmem>> -> memref<128xi32, #tpu.memory_space<vmem>>
      %dma_wait3A_234 = arith.constant 0 : i32
      %dma_wait3A_235 = tpu.memref_slice %arg9[%dma_wait3A_234] : memref<2176xi32, #tpu.memory_space<hbm>> -> memref<2176xi32, #tpu.memory_space<hbm>>
      tpu.wait_indirect_dma semaphore(%arg20 : memref<!tpu.dma_semaphore, #tpu.memory_space<semaphore_mem>>) src(%dma_wait3A_230 : memref<128xi32, #tpu.memory_space<vmem>>) dst(%dma_wait3A_235 : memref<2176xi32, #tpu.memory_space<hbm>>)
      %dma_start3A_236 = arith.constant 9 : i32
      %dma_start3A_237 = arith.constant 9 : i32
      %dma_start3A_238 = arith.constant 0 : i32
      %dma_start3A_239 = tpu.memref_slice %arg16[%dma_start3A_236, %dma_start3A_238] : memref<16x128xi32, #tpu.memory_space<vmem>> -> memref<1x128xi32, #tpu.memory_space<vmem>>
      %dma_start3A_240 = tpu.memref_squeeze %dma_start3A_239 : memref<1x128xi32, #tpu.memory_space<vmem>> -> memref<128xi32, #tpu.memory_space<vmem>>
      %dma_start3A_241 = arith.constant 0 : i32
      %dma_start3A_242 = tpu.memref_slice %arg15[%dma_start3A_237, %dma_start3A_241] : memref<16x128xi32, #tpu.memory_space<vmem>> -> memref<1x128xi32, #tpu.memory_space<vmem>>
      %dma_start3A_243 = tpu.memref_squeeze %dma_start3A_242 : memref<1x128xi32, #tpu.memory_space<vmem>> -> memref<128xi32, #tpu.memory_space<vmem>>
      %dma_start3A_244 = arith.constant 0 : i32
      %dma_start3A_245 = tpu.memref_slice %arg9[%dma_start3A_244] : memref<2176xi32, #tpu.memory_space<hbm>> -> memref<2176xi32, #tpu.memory_space<hbm>>
      tpu.enqueue_indirect_dma source(%dma_start3A_240 : memref<128xi32, #tpu.memory_space<vmem>>) target(%dma_start3A_245 : memref<2176xi32, #tpu.memory_space<hbm>>) offsets(%dma_start3A_243 : memref<128xi32, #tpu.memory_space<vmem>>) semaphore(%arg20 : memref<!tpu.dma_semaphore, #tpu.memory_space<semaphore_mem>>)
      %dma_wait3A_246 = arith.constant 9 : i32
      %dma_wait3A_247 = arith.constant 9 : i32
      %dma_wait3A_248 = arith.constant 0 : i32
      %dma_wait3A_249 = tpu.memref_slice %arg16[%dma_wait3A_246, %dma_wait3A_248] : memref<16x128xi32, #tpu.memory_space<vmem>> -> memref<1x128xi32, #tpu.memory_space<vmem>>
      %dma_wait3A_250 = tpu.memref_squeeze %dma_wait3A_249 : memref<1x128xi32, #tpu.memory_space<vmem>> -> memref<128xi32, #tpu.memory_space<vmem>>
      %dma_wait3A_251 = arith.constant 0 : i32
      %dma_wait3A_252 = tpu.memref_slice %arg15[%dma_wait3A_247, %dma_wait3A_251] : memref<16x128xi32, #tpu.memory_space<vmem>> -> memref<1x128xi32, #tpu.memory_space<vmem>>
      %dma_wait3A_253 = tpu.memref_squeeze %dma_wait3A_252 : memref<1x128xi32, #tpu.memory_space<vmem>> -> memref<128xi32, #tpu.memory_space<vmem>>
      %dma_wait3A_254 = arith.constant 0 : i32
      %dma_wait3A_255 = tpu.memref_slice %arg9[%dma_wait3A_254] : memref<2176xi32, #tpu.memory_space<hbm>> -> memref<2176xi32, #tpu.memory_space<hbm>>
      tpu.wait_indirect_dma semaphore(%arg20 : memref<!tpu.dma_semaphore, #tpu.memory_space<semaphore_mem>>) src(%dma_wait3A_250 : memref<128xi32, #tpu.memory_space<vmem>>) dst(%dma_wait3A_255 : memref<2176xi32, #tpu.memory_space<hbm>>)
      %dma_start3A_256 = arith.constant 10 : i32
      %dma_start3A_257 = arith.constant 10 : i32
      %dma_start3A_258 = arith.constant 0 : i32
      %dma_start3A_259 = tpu.memref_slice %arg16[%dma_start3A_256, %dma_start3A_258] : memref<16x128xi32, #tpu.memory_space<vmem>> -> memref<1x128xi32, #tpu.memory_space<vmem>>
      %dma_start3A_260 = tpu.memref_squeeze %dma_start3A_259 : memref<1x128xi32, #tpu.memory_space<vmem>> -> memref<128xi32, #tpu.memory_space<vmem>>
      %dma_start3A_261 = arith.constant 0 : i32
      %dma_start3A_262 = tpu.memref_slice %arg15[%dma_start3A_257, %dma_start3A_261] : memref<16x128xi32, #tpu.memory_space<vmem>> -> memref<1x128xi32, #tpu.memory_space<vmem>>
      %dma_start3A_263 = tpu.memref_squeeze %dma_start3A_262 : memref<1x128xi32, #tpu.memory_space<vmem>> -> memref<128xi32, #tpu.memory_space<vmem>>
      %dma_start3A_264 = arith.constant 0 : i32
      %dma_start3A_265 = tpu.memref_slice %arg9[%dma_start3A_264] : memref<2176xi32, #tpu.memory_space<hbm>> -> memref<2176xi32, #tpu.memory_space<hbm>>
      tpu.enqueue_indirect_dma source(%dma_start3A_260 : memref<128xi32, #tpu.memory_space<vmem>>) target(%dma_start3A_265 : memref<2176xi32, #tpu.memory_space<hbm>>) offsets(%dma_start3A_263 : memref<128xi32, #tpu.memory_space<vmem>>) semaphore(%arg20 : memref<!tpu.dma_semaphore, #tpu.memory_space<semaphore_mem>>)
      %dma_wait3A_266 = arith.constant 10 : i32
      %dma_wait3A_267 = arith.constant 10 : i32
      %dma_wait3A_268 = arith.constant 0 : i32
      %dma_wait3A_269 = tpu.memref_slice %arg16[%dma_wait3A_266, %dma_wait3A_268] : memref<16x128xi32, #tpu.memory_space<vmem>> -> memref<1x128xi32, #tpu.memory_space<vmem>>
      %dma_wait3A_270 = tpu.memref_squeeze %dma_wait3A_269 : memref<1x128xi32, #tpu.memory_space<vmem>> -> memref<128xi32, #tpu.memory_space<vmem>>
      %dma_wait3A_271 = arith.constant 0 : i32
      %dma_wait3A_272 = tpu.memref_slice %arg15[%dma_wait3A_267, %dma_wait3A_271] : memref<16x128xi32, #tpu.memory_space<vmem>> -> memref<1x128xi32, #tpu.memory_space<vmem>>
      %dma_wait3A_273 = tpu.memref_squeeze %dma_wait3A_272 : memref<1x128xi32, #tpu.memory_space<vmem>> -> memref<128xi32, #tpu.memory_space<vmem>>
      %dma_wait3A_274 = arith.constant 0 : i32
      %dma_wait3A_275 = tpu.memref_slice %arg9[%dma_wait3A_274] : memref<2176xi32, #tpu.memory_space<hbm>> -> memref<2176xi32, #tpu.memory_space<hbm>>
      tpu.wait_indirect_dma semaphore(%arg20 : memref<!tpu.dma_semaphore, #tpu.memory_space<semaphore_mem>>) src(%dma_wait3A_270 : memref<128xi32, #tpu.memory_space<vmem>>) dst(%dma_wait3A_275 : memref<2176xi32, #tpu.memory_space<hbm>>)
      %dma_start3A_276 = arith.constant 11 : i32
      %dma_start3A_277 = arith.constant 11 : i32
      %dma_start3A_278 = arith.constant 0 : i32
      %dma_start3A_279 = tpu.memref_slice %arg16[%dma_start3A_276, %dma_start3A_278] : memref<16x128xi32, #tpu.memory_space<vmem>> -> memref<1x128xi32, #tpu.memory_space<vmem>>
      %dma_start3A_280 = tpu.memref_squeeze %dma_start3A_279 : memref<1x128xi32, #tpu.memory_space<vmem>> -> memref<128xi32, #tpu.memory_space<vmem>>
      %dma_start3A_281 = arith.constant 0 : i32
      %dma_start3A_282 = tpu.memref_slice %arg15[%dma_start3A_277, %dma_start3A_281] : memref<16x128xi32, #tpu.memory_space<vmem>> -> memref<1x128xi32, #tpu.memory_space<vmem>>
      %dma_start3A_283 = tpu.memref_squeeze %dma_start3A_282 : memref<1x128xi32, #tpu.memory_space<vmem>> -> memref<128xi32, #tpu.memory_space<vmem>>
      %dma_start3A_284 = arith.constant 0 : i32
      %dma_start3A_285 = tpu.memref_slice %arg9[%dma_start3A_284] : memref<2176xi32, #tpu.memory_space<hbm>> -> memref<2176xi32, #tpu.memory_space<hbm>>
      tpu.enqueue_indirect_dma source(%dma_start3A_280 : memref<128xi32, #tpu.memory_space<vmem>>) target(%dma_start3A_285 : memref<2176xi32, #tpu.memory_space<hbm>>) offsets(%dma_start3A_283 : memref<128xi32, #tpu.memory_space<vmem>>) semaphore(%arg20 : memref<!tpu.dma_semaphore, #tpu.memory_space<semaphore_mem>>)
      %dma_wait3A_286 = arith.constant 11 : i32
      %dma_wait3A_287 = arith.constant 11 : i32
      %dma_wait3A_288 = arith.constant 0 : i32
      %dma_wait3A_289 = tpu.memref_slice %arg16[%dma_wait3A_286, %dma_wait3A_288] : memref<16x128xi32, #tpu.memory_space<vmem>> -> memref<1x128xi32, #tpu.memory_space<vmem>>
      %dma_wait3A_290 = tpu.memref_squeeze %dma_wait3A_289 : memref<1x128xi32, #tpu.memory_space<vmem>> -> memref<128xi32, #tpu.memory_space<vmem>>
      %dma_wait3A_291 = arith.constant 0 : i32
      %dma_wait3A_292 = tpu.memref_slice %arg15[%dma_wait3A_287, %dma_wait3A_291] : memref<16x128xi32, #tpu.memory_space<vmem>> -> memref<1x128xi32, #tpu.memory_space<vmem>>
      %dma_wait3A_293 = tpu.memref_squeeze %dma_wait3A_292 : memref<1x128xi32, #tpu.memory_space<vmem>> -> memref<128xi32, #tpu.memory_space<vmem>>
      %dma_wait3A_294 = arith.constant 0 : i32
      %dma_wait3A_295 = tpu.memref_slice %arg9[%dma_wait3A_294] : memref<2176xi32, #tpu.memory_space<hbm>> -> memref<2176xi32, #tpu.memory_space<hbm>>
      tpu.wait_indirect_dma semaphore(%arg20 : memref<!tpu.dma_semaphore, #tpu.memory_space<semaphore_mem>>) src(%dma_wait3A_290 : memref<128xi32, #tpu.memory_space<vmem>>) dst(%dma_wait3A_295 : memref<2176xi32, #tpu.memory_space<hbm>>)
      %dma_start3A_296 = arith.constant 12 : i32
      %dma_start3A_297 = arith.constant 12 : i32
      %dma_start3A_298 = arith.constant 0 : i32
      %dma_start3A_299 = tpu.memref_slice %arg16[%dma_start3A_296, %dma_start3A_298] : memref<16x128xi32, #tpu.memory_space<vmem>> -> memref<1x128xi32, #tpu.memory_space<vmem>>
      %dma_start3A_300 = tpu.memref_squeeze %dma_start3A_299 : memref<1x128xi32, #tpu.memory_space<vmem>> -> memref<128xi32, #tpu.memory_space<vmem>>
      %dma_start3A_301 = arith.constant 0 : i32
      %dma_start3A_302 = tpu.memref_slice %arg15[%dma_start3A_297, %dma_start3A_301] : memref<16x128xi32, #tpu.memory_space<vmem>> -> memref<1x128xi32, #tpu.memory_space<vmem>>
      %dma_start3A_303 = tpu.memref_squeeze %dma_start3A_302 : memref<1x128xi32, #tpu.memory_space<vmem>> -> memref<128xi32, #tpu.memory_space<vmem>>
      %dma_start3A_304 = arith.constant 0 : i32
      %dma_start3A_305 = tpu.memref_slice %arg9[%dma_start3A_304] : memref<2176xi32, #tpu.memory_space<hbm>> -> memref<2176xi32, #tpu.memory_space<hbm>>
      tpu.enqueue_indirect_dma source(%dma_start3A_300 : memref<128xi32, #tpu.memory_space<vmem>>) target(%dma_start3A_305 : memref<2176xi32, #tpu.memory_space<hbm>>) offsets(%dma_start3A_303 : memref<128xi32, #tpu.memory_space<vmem>>) semaphore(%arg20 : memref<!tpu.dma_semaphore, #tpu.memory_space<semaphore_mem>>)
      %dma_wait3A_306 = arith.constant 12 : i32
      %dma_wait3A_307 = arith.constant 12 : i32
      %dma_wait3A_308 = arith.constant 0 : i32
      %dma_wait3A_309 = tpu.memref_slice %arg16[%dma_wait3A_306, %dma_wait3A_308] : memref<16x128xi32, #tpu.memory_space<vmem>> -> memref<1x128xi32, #tpu.memory_space<vmem>>
      %dma_wait3A_310 = tpu.memref_squeeze %dma_wait3A_309 : memref<1x128xi32, #tpu.memory_space<vmem>> -> memref<128xi32, #tpu.memory_space<vmem>>
      %dma_wait3A_311 = arith.constant 0 : i32
      %dma_wait3A_312 = tpu.memref_slice %arg15[%dma_wait3A_307, %dma_wait3A_311] : memref<16x128xi32, #tpu.memory_space<vmem>> -> memref<1x128xi32, #tpu.memory_space<vmem>>
      %dma_wait3A_313 = tpu.memref_squeeze %dma_wait3A_312 : memref<1x128xi32, #tpu.memory_space<vmem>> -> memref<128xi32, #tpu.memory_space<vmem>>
      %dma_wait3A_314 = arith.constant 0 : i32
      %dma_wait3A_315 = tpu.memref_slice %arg9[%dma_wait3A_314] : memref<2176xi32, #tpu.memory_space<hbm>> -> memref<2176xi32, #tpu.memory_space<hbm>>
      tpu.wait_indirect_dma semaphore(%arg20 : memref<!tpu.dma_semaphore, #tpu.memory_space<semaphore_mem>>) src(%dma_wait3A_310 : memref<128xi32, #tpu.memory_space<vmem>>) dst(%dma_wait3A_315 : memref<2176xi32, #tpu.memory_space<hbm>>)
      %dma_start3A_316 = arith.constant 13 : i32
      %dma_start3A_317 = arith.constant 13 : i32
      %dma_start3A_318 = arith.constant 0 : i32
      %dma_start3A_319 = tpu.memref_slice %arg16[%dma_start3A_316, %dma_start3A_318] : memref<16x128xi32, #tpu.memory_space<vmem>> -> memref<1x128xi32, #tpu.memory_space<vmem>>
      %dma_start3A_320 = tpu.memref_squeeze %dma_start3A_319 : memref<1x128xi32, #tpu.memory_space<vmem>> -> memref<128xi32, #tpu.memory_space<vmem>>
      %dma_start3A_321 = arith.constant 0 : i32
      %dma_start3A_322 = tpu.memref_slice %arg15[%dma_start3A_317, %dma_start3A_321] : memref<16x128xi32, #tpu.memory_space<vmem>> -> memref<1x128xi32, #tpu.memory_space<vmem>>
      %dma_start3A_323 = tpu.memref_squeeze %dma_start3A_322 : memref<1x128xi32, #tpu.memory_space<vmem>> -> memref<128xi32, #tpu.memory_space<vmem>>
      %dma_start3A_324 = arith.constant 0 : i32
      %dma_start3A_325 = tpu.memref_slice %arg9[%dma_start3A_324] : memref<2176xi32, #tpu.memory_space<hbm>> -> memref<2176xi32, #tpu.memory_space<hbm>>
      tpu.enqueue_indirect_dma source(%dma_start3A_320 : memref<128xi32, #tpu.memory_space<vmem>>) target(%dma_start3A_325 : memref<2176xi32, #tpu.memory_space<hbm>>) offsets(%dma_start3A_323 : memref<128xi32, #tpu.memory_space<vmem>>) semaphore(%arg20 : memref<!tpu.dma_semaphore, #tpu.memory_space<semaphore_mem>>)
      %dma_wait3A_326 = arith.constant 13 : i32
      %dma_wait3A_327 = arith.constant 13 : i32
      %dma_wait3A_328 = arith.constant 0 : i32
      %dma_wait3A_329 = tpu.memref_slice %arg16[%dma_wait3A_326, %dma_wait3A_328] : memref<16x128xi32, #tpu.memory_space<vmem>> -> memref<1x128xi32, #tpu.memory_space<vmem>>
      %dma_wait3A_330 = tpu.memref_squeeze %dma_wait3A_329 : memref<1x128xi32, #tpu.memory_space<vmem>> -> memref<128xi32, #tpu.memory_space<vmem>>
      %dma_wait3A_331 = arith.constant 0 : i32
      %dma_wait3A_332 = tpu.memref_slice %arg15[%dma_wait3A_327, %dma_wait3A_331] : memref<16x128xi32, #tpu.memory_space<vmem>> -> memref<1x128xi32, #tpu.memory_space<vmem>>
      %dma_wait3A_333 = tpu.memref_squeeze %dma_wait3A_332 : memref<1x128xi32, #tpu.memory_space<vmem>> -> memref<128xi32, #tpu.memory_space<vmem>>
      %dma_wait3A_334 = arith.constant 0 : i32
      %dma_wait3A_335 = tpu.memref_slice %arg9[%dma_wait3A_334] : memref<2176xi32, #tpu.memory_space<hbm>> -> memref<2176xi32, #tpu.memory_space<hbm>>
      tpu.wait_indirect_dma semaphore(%arg20 : memref<!tpu.dma_semaphore, #tpu.memory_space<semaphore_mem>>) src(%dma_wait3A_330 : memref<128xi32, #tpu.memory_space<vmem>>) dst(%dma_wait3A_335 : memref<2176xi32, #tpu.memory_space<hbm>>)
      %dma_start3A_336 = arith.constant 14 : i32
      %dma_start3A_337 = arith.constant 14 : i32
      %dma_start3A_338 = arith.constant 0 : i32
      %dma_start3A_339 = tpu.memref_slice %arg16[%dma_start3A_336, %dma_start3A_338] : memref<16x128xi32, #tpu.memory_space<vmem>> -> memref<1x128xi32, #tpu.memory_space<vmem>>
      %dma_start3A_340 = tpu.memref_squeeze %dma_start3A_339 : memref<1x128xi32, #tpu.memory_space<vmem>> -> memref<128xi32, #tpu.memory_space<vmem>>
      %dma_start3A_341 = arith.constant 0 : i32
      %dma_start3A_342 = tpu.memref_slice %arg15[%dma_start3A_337, %dma_start3A_341] : memref<16x128xi32, #tpu.memory_space<vmem>> -> memref<1x128xi32, #tpu.memory_space<vmem>>
      %dma_start3A_343 = tpu.memref_squeeze %dma_start3A_342 : memref<1x128xi32, #tpu.memory_space<vmem>> -> memref<128xi32, #tpu.memory_space<vmem>>
      %dma_start3A_344 = arith.constant 0 : i32
      %dma_start3A_345 = tpu.memref_slice %arg9[%dma_start3A_344] : memref<2176xi32, #tpu.memory_space<hbm>> -> memref<2176xi32, #tpu.memory_space<hbm>>
      tpu.enqueue_indirect_dma source(%dma_start3A_340 : memref<128xi32, #tpu.memory_space<vmem>>) target(%dma_start3A_345 : memref<2176xi32, #tpu.memory_space<hbm>>) offsets(%dma_start3A_343 : memref<128xi32, #tpu.memory_space<vmem>>) semaphore(%arg20 : memref<!tpu.dma_semaphore, #tpu.memory_space<semaphore_mem>>)
      %dma_wait3A_346 = arith.constant 14 : i32
      %dma_wait3A_347 = arith.constant 14 : i32
      %dma_wait3A_348 = arith.constant 0 : i32
      %dma_wait3A_349 = tpu.memref_slice %arg16[%dma_wait3A_346, %dma_wait3A_348] : memref<16x128xi32, #tpu.memory_space<vmem>> -> memref<1x128xi32, #tpu.memory_space<vmem>>
      %dma_wait3A_350 = tpu.memref_squeeze %dma_wait3A_349 : memref<1x128xi32, #tpu.memory_space<vmem>> -> memref<128xi32, #tpu.memory_space<vmem>>
      %dma_wait3A_351 = arith.constant 0 : i32
      %dma_wait3A_352 = tpu.memref_slice %arg15[%dma_wait3A_347, %dma_wait3A_351] : memref<16x128xi32, #tpu.memory_space<vmem>> -> memref<1x128xi32, #tpu.memory_space<vmem>>
      %dma_wait3A_353 = tpu.memref_squeeze %dma_wait3A_352 : memref<1x128xi32, #tpu.memory_space<vmem>> -> memref<128xi32, #tpu.memory_space<vmem>>
      %dma_wait3A_354 = arith.constant 0 : i32
      %dma_wait3A_355 = tpu.memref_slice %arg9[%dma_wait3A_354] : memref<2176xi32, #tpu.memory_space<hbm>> -> memref<2176xi32, #tpu.memory_space<hbm>>
      tpu.wait_indirect_dma semaphore(%arg20 : memref<!tpu.dma_semaphore, #tpu.memory_space<semaphore_mem>>) src(%dma_wait3A_350 : memref<128xi32, #tpu.memory_space<vmem>>) dst(%dma_wait3A_355 : memref<2176xi32, #tpu.memory_space<hbm>>)
      %dma_start3A_356 = arith.constant 15 : i32
      %dma_start3A_357 = arith.constant 15 : i32
      %dma_start3A_358 = arith.constant 0 : i32
      %dma_start3A_359 = tpu.memref_slice %arg16[%dma_start3A_356, %dma_start3A_358] : memref<16x128xi32, #tpu.memory_space<vmem>> -> memref<1x128xi32, #tpu.memory_space<vmem>>
      %dma_start3A_360 = tpu.memref_squeeze %dma_start3A_359 : memref<1x128xi32, #tpu.memory_space<vmem>> -> memref<128xi32, #tpu.memory_space<vmem>>
      %dma_start3A_361 = arith.constant 0 : i32
      %dma_start3A_362 = tpu.memref_slice %arg15[%dma_start3A_357, %dma_start3A_361] : memref<16x128xi32, #tpu.memory_space<vmem>> -> memref<1x128xi32, #tpu.memory_space<vmem>>
      %dma_start3A_363 = tpu.memref_squeeze %dma_start3A_362 : memref<1x128xi32, #tpu.memory_space<vmem>> -> memref<128xi32, #tpu.memory_space<vmem>>
      %dma_start3A_364 = arith.constant 0 : i32
      %dma_start3A_365 = tpu.memref_slice %arg9[%dma_start3A_364] : memref<2176xi32, #tpu.memory_space<hbm>> -> memref<2176xi32, #tpu.memory_space<hbm>>
      tpu.enqueue_indirect_dma source(%dma_start3A_360 : memref<128xi32, #tpu.memory_space<vmem>>) target(%dma_start3A_365 : memref<2176xi32, #tpu.memory_space<hbm>>) offsets(%dma_start3A_363 : memref<128xi32, #tpu.memory_space<vmem>>) semaphore(%arg20 : memref<!tpu.dma_semaphore, #tpu.memory_space<semaphore_mem>>)
      %dma_wait3A_366 = arith.constant 15 : i32
      %dma_wait3A_367 = arith.constant 15 : i32
      %dma_wait3A_368 = arith.constant 0 : i32
      %dma_wait3A_369 = tpu.memref_slice %arg16[%dma_wait3A_366, %dma_wait3A_368] : memref<16x128xi32, #tpu.memory_space<vmem>> -> memref<1x128xi32, #tpu.memory_space<vmem>>
      %dma_wait3A_370 = tpu.memref_squeeze %dma_wait3A_369 : memref<1x128xi32, #tpu.memory_space<vmem>> -> memref<128xi32, #tpu.memory_space<vmem>>
      %dma_wait3A_371 = arith.constant 0 : i32
      %dma_wait3A_372 = tpu.memref_slice %arg15[%dma_wait3A_367, %dma_wait3A_371] : memref<16x128xi32, #tpu.memory_space<vmem>> -> memref<1x128xi32, #tpu.memory_space<vmem>>
      %dma_wait3A_373 = tpu.memref_squeeze %dma_wait3A_372 : memref<1x128xi32, #tpu.memory_space<vmem>> -> memref<128xi32, #tpu.memory_space<vmem>>
      %dma_wait3A_374 = arith.constant 0 : i32
      %dma_wait3A_375 = tpu.memref_slice %arg9[%dma_wait3A_374] : memref<2176xi32, #tpu.memory_space<hbm>> -> memref<2176xi32, #tpu.memory_space<hbm>>
      tpu.wait_indirect_dma semaphore(%arg20 : memref<!tpu.dma_semaphore, #tpu.memory_space<semaphore_mem>>) src(%dma_wait3A_370 : memref<128xi32, #tpu.memory_space<vmem>>) dst(%dma_wait3A_375 : memref<2176xi32, #tpu.memory_space<hbm>>)
      %barrier3A_376 = arith.constant 0 : index
      tpu.barrier barrier_id(%barrier3A_376)
      %mul3A_377 = arith.constant 128 : i32
      %mul3A_378 = arith.muli %arg1, %mul3A_377 : i32
      "tpu.region"() ({
        %run_scoped3A = tpu.sem_alloc : memref<!tpu.dma_semaphore, #tpu.memory_space<semaphore_mem>>
        %dma_start3A_409 = tpu.memref_slice %arg9[%mul3A_378] : memref<2176xi32, #tpu.memory_space<hbm>> -> memref<128xi32, #tpu.memory_space<hbm>>
        %dma_start3A_410 = tpu.memref_slice %arg9[%mul3A_378] : memref<2176xi32, #tpu.memory_space<hbm>> -> memref<128xi32, #tpu.memory_space<hbm>>
        tpu.enqueue_dma source(%dma_start3A_410 : memref<128xi32, #tpu.memory_space<hbm>>) target(%arg17 : memref<128xi32, #tpu.memory_space<vmem>>) target_semaphore(%run_scoped3A : memref<!tpu.dma_semaphore, #tpu.memory_space<semaphore_mem>>)
        %dma_wait3A_411 = tpu.memref_slice %arg9[%mul3A_378] : memref<2176xi32, #tpu.memory_space<hbm>> -> memref<128xi32, #tpu.memory_space<hbm>>
        %dma_wait3A_412 = tpu.memref_slice %arg9[%mul3A_378] : memref<2176xi32, #tpu.memory_space<hbm>> -> memref<128xi32, #tpu.memory_space<hbm>>
        tpu.wait_dma2 semaphore(%run_scoped3A : memref<!tpu.dma_semaphore, #tpu.memory_space<semaphore_mem>>) src(%dma_wait3A_412 : memref<128xi32, #tpu.memory_space<hbm>>) dst(%arg17 : memref<128xi32, #tpu.memory_space<vmem>>)
        tpu.yield
      }) : () -> ()
      %dma_start3A_379 = arith.constant 0 : i32
      %dma_start3A_380 = tpu.memref_slice %arg4[%dma_start3A_379] : memref<22528xf32, #tpu.memory_space<hbm>> -> memref<22528xf32, #tpu.memory_space<hbm>>
      tpu.enqueue_indirect_dma source(%dma_start3A_380 : memref<22528xf32, #tpu.memory_space<hbm>>) target(%arg18 : memref<128xf32, #tpu.memory_space<vmem>>) offsets(%arg17 : memref<128xi32, #tpu.memory_space<vmem>>) semaphore(%arg20 : memref<!tpu.dma_semaphore, #tpu.memory_space<semaphore_mem>>)
      %dma_wait3A_381 = arith.constant 0 : i32
      %dma_wait3A_382 = tpu.memref_slice %arg4[%dma_wait3A_381] : memref<22528xf32, #tpu.memory_space<hbm>> -> memref<22528xf32, #tpu.memory_space<hbm>>
      tpu.wait_indirect_dma semaphore(%arg20 : memref<!tpu.dma_semaphore, #tpu.memory_space<semaphore_mem>>) src(%dma_wait3A_382 : memref<22528xf32, #tpu.memory_space<hbm>>) dst(%arg18 : memref<128xf32, #tpu.memory_space<vmem>>)
      %mul3A_383 = arith.constant 128 : i32
      %mul3A_384 = arith.muli %arg1, %mul3A_383 : i32
      "tpu.region"() ({
        %run_scoped3A = tpu.sem_alloc : memref<!tpu.dma_semaphore, #tpu.memory_space<semaphore_mem>>
        %dma_start3A_409 = tpu.memref_slice %arg10[%mul3A_384] : memref<2048xf32, #tpu.memory_space<hbm>> -> memref<128xf32, #tpu.memory_space<hbm>>
        %dma_start3A_410 = tpu.memref_slice %arg10[%mul3A_384] : memref<2048xf32, #tpu.memory_space<hbm>> -> memref<128xf32, #tpu.memory_space<hbm>>
        tpu.enqueue_dma source(%arg18 : memref<128xf32, #tpu.memory_space<vmem>>) target(%dma_start3A_410 : memref<128xf32, #tpu.memory_space<hbm>>) target_semaphore(%run_scoped3A : memref<!tpu.dma_semaphore, #tpu.memory_space<semaphore_mem>>)
        %dma_wait3A_411 = tpu.memref_slice %arg10[%mul3A_384] : memref<2048xf32, #tpu.memory_space<hbm>> -> memref<128xf32, #tpu.memory_space<hbm>>
        %dma_wait3A_412 = tpu.memref_slice %arg10[%mul3A_384] : memref<2048xf32, #tpu.memory_space<hbm>> -> memref<128xf32, #tpu.memory_space<hbm>>
        tpu.wait_dma2 semaphore(%run_scoped3A : memref<!tpu.dma_semaphore, #tpu.memory_space<semaphore_mem>>) src(%arg18 : memref<128xf32, #tpu.memory_space<vmem>>) dst(%dma_wait3A_412 : memref<128xf32, #tpu.memory_space<hbm>>)
        tpu.yield
      }) : () -> ()
      %dma_start3A_385 = arith.constant 0 : i32
      %dma_start3A_386 = tpu.memref_slice %arg5[%dma_start3A_385] : memref<22528xf32, #tpu.memory_space<hbm>> -> memref<22528xf32, #tpu.memory_space<hbm>>
      tpu.enqueue_indirect_dma source(%dma_start3A_386 : memref<22528xf32, #tpu.memory_space<hbm>>) target(%arg18 : memref<128xf32, #tpu.memory_space<vmem>>) offsets(%arg17 : memref<128xi32, #tpu.memory_space<vmem>>) semaphore(%arg20 : memref<!tpu.dma_semaphore, #tpu.memory_space<semaphore_mem>>)
      %dma_wait3A_387 = arith.constant 0 : i32
      %dma_wait3A_388 = tpu.memref_slice %arg5[%dma_wait3A_387] : memref<22528xf32, #tpu.memory_space<hbm>> -> memref<22528xf32, #tpu.memory_space<hbm>>
      tpu.wait_indirect_dma semaphore(%arg20 : memref<!tpu.dma_semaphore, #tpu.memory_space<semaphore_mem>>) src(%dma_wait3A_388 : memref<22528xf32, #tpu.memory_space<hbm>>) dst(%arg18 : memref<128xf32, #tpu.memory_space<vmem>>)
      %mul3A_389 = arith.constant 128 : i32
      %mul3A_390 = arith.muli %arg1, %mul3A_389 : i32
      "tpu.region"() ({
        %run_scoped3A = tpu.sem_alloc : memref<!tpu.dma_semaphore, #tpu.memory_space<semaphore_mem>>
        %dma_start3A_409 = tpu.memref_slice %arg11[%mul3A_390] : memref<2048xf32, #tpu.memory_space<hbm>> -> memref<128xf32, #tpu.memory_space<hbm>>
        %dma_start3A_410 = tpu.memref_slice %arg11[%mul3A_390] : memref<2048xf32, #tpu.memory_space<hbm>> -> memref<128xf32, #tpu.memory_space<hbm>>
        tpu.enqueue_dma source(%arg18 : memref<128xf32, #tpu.memory_space<vmem>>) target(%dma_start3A_410 : memref<128xf32, #tpu.memory_space<hbm>>) target_semaphore(%run_scoped3A : memref<!tpu.dma_semaphore, #tpu.memory_space<semaphore_mem>>)
        %dma_wait3A_411 = tpu.memref_slice %arg11[%mul3A_390] : memref<2048xf32, #tpu.memory_space<hbm>> -> memref<128xf32, #tpu.memory_space<hbm>>
        %dma_wait3A_412 = tpu.memref_slice %arg11[%mul3A_390] : memref<2048xf32, #tpu.memory_space<hbm>> -> memref<128xf32, #tpu.memory_space<hbm>>
        tpu.wait_dma2 semaphore(%run_scoped3A : memref<!tpu.dma_semaphore, #tpu.memory_space<semaphore_mem>>) src(%arg18 : memref<128xf32, #tpu.memory_space<vmem>>) dst(%dma_wait3A_412 : memref<128xf32, #tpu.memory_space<hbm>>)
        tpu.yield
      }) : () -> ()
      %dma_start3A_391 = arith.constant 0 : i32
      %dma_start3A_392 = tpu.memref_slice %arg6[%dma_start3A_391] : memref<22528xf32, #tpu.memory_space<hbm>> -> memref<22528xf32, #tpu.memory_space<hbm>>
      tpu.enqueue_indirect_dma source(%dma_start3A_392 : memref<22528xf32, #tpu.memory_space<hbm>>) target(%arg18 : memref<128xf32, #tpu.memory_space<vmem>>) offsets(%arg17 : memref<128xi32, #tpu.memory_space<vmem>>) semaphore(%arg20 : memref<!tpu.dma_semaphore, #tpu.memory_space<semaphore_mem>>)
      %dma_wait3A_393 = arith.constant 0 : i32
      %dma_wait3A_394 = tpu.memref_slice %arg6[%dma_wait3A_393] : memref<22528xf32, #tpu.memory_space<hbm>> -> memref<22528xf32, #tpu.memory_space<hbm>>
      tpu.wait_indirect_dma semaphore(%arg20 : memref<!tpu.dma_semaphore, #tpu.memory_space<semaphore_mem>>) src(%dma_wait3A_394 : memref<22528xf32, #tpu.memory_space<hbm>>) dst(%arg18 : memref<128xf32, #tpu.memory_space<vmem>>)
      %mul3A_395 = arith.constant 128 : i32
      %mul3A_396 = arith.muli %arg1, %mul3A_395 : i32
      "tpu.region"() ({
        %run_scoped3A = tpu.sem_alloc : memref<!tpu.dma_semaphore, #tpu.memory_space<semaphore_mem>>
        %dma_start3A_409 = tpu.memref_slice %arg12[%mul3A_396] : memref<2048xf32, #tpu.memory_space<hbm>> -> memref<128xf32, #tpu.memory_space<hbm>>
        %dma_start3A_410 = tpu.memref_slice %arg12[%mul3A_396] : memref<2048xf32, #tpu.memory_space<hbm>> -> memref<128xf32, #tpu.memory_space<hbm>>
        tpu.enqueue_dma source(%arg18 : memref<128xf32, #tpu.memory_space<vmem>>) target(%dma_start3A_410 : memref<128xf32, #tpu.memory_space<hbm>>) target_semaphore(%run_scoped3A : memref<!tpu.dma_semaphore, #tpu.memory_space<semaphore_mem>>)
        %dma_wait3A_411 = tpu.memref_slice %arg12[%mul3A_396] : memref<2048xf32, #tpu.memory_space<hbm>> -> memref<128xf32, #tpu.memory_space<hbm>>
        %dma_wait3A_412 = tpu.memref_slice %arg12[%mul3A_396] : memref<2048xf32, #tpu.memory_space<hbm>> -> memref<128xf32, #tpu.memory_space<hbm>>
        tpu.wait_dma2 semaphore(%run_scoped3A : memref<!tpu.dma_semaphore, #tpu.memory_space<semaphore_mem>>) src(%arg18 : memref<128xf32, #tpu.memory_space<vmem>>) dst(%dma_wait3A_412 : memref<128xf32, #tpu.memory_space<hbm>>)
        tpu.yield
      }) : () -> ()
      %dma_start3A_397 = arith.constant 0 : i32
      %dma_start3A_398 = tpu.memref_slice %arg7[%dma_start3A_397] : memref<22528xf32, #tpu.memory_space<hbm>> -> memref<22528xf32, #tpu.memory_space<hbm>>
      tpu.enqueue_indirect_dma source(%dma_start3A_398 : memref<22528xf32, #tpu.memory_space<hbm>>) target(%arg18 : memref<128xf32, #tpu.memory_space<vmem>>) offsets(%arg17 : memref<128xi32, #tpu.memory_space<vmem>>) semaphore(%arg20 : memref<!tpu.dma_semaphore, #tpu.memory_space<semaphore_mem>>)
      %dma_wait3A_399 = arith.constant 0 : i32
      %dma_wait3A_400 = tpu.memref_slice %arg7[%dma_wait3A_399] : memref<22528xf32, #tpu.memory_space<hbm>> -> memref<22528xf32, #tpu.memory_space<hbm>>
      tpu.wait_indirect_dma semaphore(%arg20 : memref<!tpu.dma_semaphore, #tpu.memory_space<semaphore_mem>>) src(%dma_wait3A_400 : memref<22528xf32, #tpu.memory_space<hbm>>) dst(%arg18 : memref<128xf32, #tpu.memory_space<vmem>>)
      %mul3A_401 = arith.constant 128 : i32
      %mul3A_402 = arith.muli %arg1, %mul3A_401 : i32
      "tpu.region"() ({
        %run_scoped3A = tpu.sem_alloc : memref<!tpu.dma_semaphore, #tpu.memory_space<semaphore_mem>>
        %dma_start3A_409 = tpu.memref_slice %arg13[%mul3A_402] : memref<2048xf32, #tpu.memory_space<hbm>> -> memref<128xf32, #tpu.memory_space<hbm>>
        %dma_start3A_410 = tpu.memref_slice %arg13[%mul3A_402] : memref<2048xf32, #tpu.memory_space<hbm>> -> memref<128xf32, #tpu.memory_space<hbm>>
        tpu.enqueue_dma source(%arg18 : memref<128xf32, #tpu.memory_space<vmem>>) target(%dma_start3A_410 : memref<128xf32, #tpu.memory_space<hbm>>) target_semaphore(%run_scoped3A : memref<!tpu.dma_semaphore, #tpu.memory_space<semaphore_mem>>)
        %dma_wait3A_411 = tpu.memref_slice %arg13[%mul3A_402] : memref<2048xf32, #tpu.memory_space<hbm>> -> memref<128xf32, #tpu.memory_space<hbm>>
        %dma_wait3A_412 = tpu.memref_slice %arg13[%mul3A_402] : memref<2048xf32, #tpu.memory_space<hbm>> -> memref<128xf32, #tpu.memory_space<hbm>>
        tpu.wait_dma2 semaphore(%run_scoped3A : memref<!tpu.dma_semaphore, #tpu.memory_space<semaphore_mem>>) src(%arg18 : memref<128xf32, #tpu.memory_space<vmem>>) dst(%dma_wait3A_412 : memref<128xf32, #tpu.memory_space<hbm>>)
        tpu.yield
      }) : () -> ()
      %dma_start3A_403 = arith.constant 0 : i32
      %dma_start3A_404 = tpu.memref_slice %arg8[%dma_start3A_403] : memref<22528xf32, #tpu.memory_space<hbm>> -> memref<22528xf32, #tpu.memory_space<hbm>>
      tpu.enqueue_indirect_dma source(%dma_start3A_404 : memref<22528xf32, #tpu.memory_space<hbm>>) target(%arg18 : memref<128xf32, #tpu.memory_space<vmem>>) offsets(%arg17 : memref<128xi32, #tpu.memory_space<vmem>>) semaphore(%arg20 : memref<!tpu.dma_semaphore, #tpu.memory_space<semaphore_mem>>)
      %dma_wait3A_405 = arith.constant 0 : i32
      %dma_wait3A_406 = tpu.memref_slice %arg8[%dma_wait3A_405] : memref<22528xf32, #tpu.memory_space<hbm>> -> memref<22528xf32, #tpu.memory_space<hbm>>
      tpu.wait_indirect_dma semaphore(%arg20 : memref<!tpu.dma_semaphore, #tpu.memory_space<semaphore_mem>>) src(%dma_wait3A_406 : memref<22528xf32, #tpu.memory_space<hbm>>) dst(%arg18 : memref<128xf32, #tpu.memory_space<vmem>>)
      %mul3A_407 = arith.constant 128 : i32
      %mul3A_408 = arith.muli %arg1, %mul3A_407 : i32
      "tpu.region"() ({
        %run_scoped3A = tpu.sem_alloc : memref<!tpu.dma_semaphore, #tpu.memory_space<semaphore_mem>>
        %dma_start3A_409 = tpu.memref_slice %arg14[%mul3A_408] : memref<2048xf32, #tpu.memory_space<hbm>> -> memref<128xf32, #tpu.memory_space<hbm>>
        %dma_start3A_410 = tpu.memref_slice %arg14[%mul3A_408] : memref<2048xf32, #tpu.memory_space<hbm>> -> memref<128xf32, #tpu.memory_space<hbm>>
        tpu.enqueue_dma source(%arg18 : memref<128xf32, #tpu.memory_space<vmem>>) target(%dma_start3A_410 : memref<128xf32, #tpu.memory_space<hbm>>) target_semaphore(%run_scoped3A : memref<!tpu.dma_semaphore, #tpu.memory_space<semaphore_mem>>)
        %dma_wait3A_411 = tpu.memref_slice %arg14[%mul3A_408] : memref<2048xf32, #tpu.memory_space<hbm>> -> memref<128xf32, #tpu.memory_space<hbm>>
        %dma_wait3A_412 = tpu.memref_slice %arg14[%mul3A_408] : memref<2048xf32, #tpu.memory_space<hbm>> -> memref<128xf32, #tpu.memory_space<hbm>>
        tpu.wait_dma2 semaphore(%run_scoped3A : memref<!tpu.dma_semaphore, #tpu.memory_space<semaphore_mem>>) src(%arg18 : memref<128xf32, #tpu.memory_space<vmem>>) dst(%dma_wait3A_412 : memref<128xf32, #tpu.memory_space<hbm>>)
        tpu.yield
      }) : () -> ()
    } else {
    }
    return
  }
}

module attributes {stable_mosaic.version = 14 : i64} {
  func.func @_head_body(%arg0: memref<2810x256xf32, #tpu.memory_space<vmem>>, %arg1: memref<2304x256xf32, #tpu.memory_space<vmem>>, %arg2: memref<1x256xf32, #tpu.memory_space<vmem>>, %arg3: memref<256x64xf32, #tpu.memory_space<vmem>>, %arg4: memref<1x64xf32, #tpu.memory_space<vmem>>, %arg5: memref<2704x64xf32, #tpu.memory_space<vmem>>) attributes {dimension_semantics = [], scalar_prefetch = 0 : i64, scratch_operands = 0 : i64, tpu.core_type = #tpu.core_type<tc>} {
    %get3A = arith.constant 0 : index
    %get3A_0 = arith.constant 0 : index
    %get3A_1 = vector.load %arg0[%get3A, %get3A_0] : memref<2810x256xf32, #tpu.memory_space<vmem>>, vector<2704x256xf32>
    %get3A_2 = arith.constant 1 : index
    %get3A_3 = arith.constant 0 : index
    %get3A_4 = vector.load %arg0[%get3A_2, %get3A_3] : memref<2810x256xf32, #tpu.memory_space<vmem>>, vector<2704x256xf32>
    %get3A_5 = arith.constant 2 : index
    %get3A_6 = arith.constant 0 : index
    %get3A_7 = vector.load %arg0[%get3A_5, %get3A_6] : memref<2810x256xf32, #tpu.memory_space<vmem>>, vector<2704x256xf32>
    %get3A_8 = arith.constant 52 : index
    %get3A_9 = arith.constant 0 : index
    %get3A_10 = vector.load %arg0[%get3A_8, %get3A_9] : memref<2810x256xf32, #tpu.memory_space<vmem>>, vector<2704x256xf32>
    %get3A_11 = arith.constant 53 : index
    %get3A_12 = arith.constant 0 : index
    %get3A_13 = vector.load %arg0[%get3A_11, %get3A_12] : memref<2810x256xf32, #tpu.memory_space<vmem>>, vector<2704x256xf32>
    %get3A_14 = arith.constant 54 : index
    %get3A_15 = arith.constant 0 : index
    %get3A_16 = vector.load %arg0[%get3A_14, %get3A_15] : memref<2810x256xf32, #tpu.memory_space<vmem>>, vector<2704x256xf32>
    %get3A_17 = arith.constant 104 : index
    %get3A_18 = arith.constant 0 : index
    %get3A_19 = vector.load %arg0[%get3A_17, %get3A_18] : memref<2810x256xf32, #tpu.memory_space<vmem>>, vector<2704x256xf32>
    %get3A_20 = arith.constant 105 : index
    %get3A_21 = arith.constant 0 : index
    %get3A_22 = vector.load %arg0[%get3A_20, %get3A_21] : memref<2810x256xf32, #tpu.memory_space<vmem>>, vector<2704x256xf32>
    %get3A_23 = arith.constant 106 : index
    %get3A_24 = arith.constant 0 : index
    %get3A_25 = vector.load %arg0[%get3A_23, %get3A_24] : memref<2810x256xf32, #tpu.memory_space<vmem>>, vector<2704x256xf32>
    %concatenate3A = tpu.concatenate %get3A_1, %get3A_4, %get3A_7, %get3A_10, %get3A_13, %get3A_16, %get3A_19, %get3A_22, %get3A_25 in 1 : vector<2704x256xf32>, vector<2704x256xf32>, vector<2704x256xf32>, vector<2704x256xf32>, vector<2704x256xf32>, vector<2704x256xf32>, vector<2704x256xf32>, vector<2704x256xf32>, vector<2704x256xf32> -> vector<2704x2304xf32>
    %get3A_26 = arith.constant 0 : index
    %get3A_27 = arith.constant 0 : index
    %get3A_28 = vector.load %arg1[%get3A_26, %get3A_27] : memref<2304x256xf32, #tpu.memory_space<vmem>>, vector<2304x256xf32>
    %dot_general3A = arith.constant dense<0.000000e+00> : vector<2704x256xf32>
    %dot_general3A_29 = tpu.matmul %concatenate3A, %get3A_28, %dot_general3A {dimension_numbers = #tpu.dot_dimension_numbers<[1], [0], [0], [1], [0, 0, 1, 1], [], []>, transpose_lhs_hint = false} : vector<2704x2304xf32>, vector<2304x256xf32>, vector<2704x256xf32> -> vector<2704x256xf32>
    %get3A_30 = arith.constant 0 : index
    %get3A_31 = arith.constant 0 : index
    %get3A_32 = vector.load %arg2[%get3A_30, %get3A_31] : memref<1x256xf32, #tpu.memory_space<vmem>>, vector<1x256xf32>
    %add3A = vector.broadcast %get3A_32 : vector<1x256xf32> to vector<2704x256xf32>
    %add3A_33 = arith.addf %dot_general3A_29, %add3A : vector<2704x256xf32>
    %max3A = arith.constant 0.000000e+00 : f32
    %max3A_34 = vector.broadcast %max3A : f32 to vector<2704x256xf32>
    %max3A_35 = arith.maximumf %add3A_33, %max3A_34 : vector<2704x256xf32>
    %get3A_36 = arith.constant 0 : index
    %get3A_37 = arith.constant 0 : index
    %get3A_38 = vector.load %arg3[%get3A_36, %get3A_37] : memref<256x64xf32, #tpu.memory_space<vmem>>, vector<256x64xf32>
    %dot_general3A_39 = arith.constant dense<0.000000e+00> : vector<2704x64xf32>
    %dot_general3A_40 = tpu.matmul %max3A_35, %get3A_38, %dot_general3A_39 {dimension_numbers = #tpu.dot_dimension_numbers<[1], [0], [0], [1], [0, 0, 1, 1], [], []>, transpose_lhs_hint = false} : vector<2704x256xf32>, vector<256x64xf32>, vector<2704x64xf32> -> vector<2704x64xf32>
    %get3A_41 = arith.constant 0 : index
    %get3A_42 = arith.constant 0 : index
    %get3A_43 = vector.load %arg4[%get3A_41, %get3A_42] : memref<1x64xf32, #tpu.memory_space<vmem>>, vector<1x64xf32>
    %add3A_44 = vector.broadcast %get3A_43 : vector<1x64xf32> to vector<2704x64xf32>
    %add3A_45 = arith.addf %dot_general3A_40, %add3A_44 : vector<2704x64xf32>
    %swap3A = arith.constant 0 : index
    %swap3A_46 = arith.constant 0 : index
    %swap3A_47 = vector.load %arg5[%swap3A, %swap3A_46] : memref<2704x64xf32, #tpu.memory_space<vmem>>, vector<2704x64xf32>
    tpu.vector_store %arg5[%swap3A, %swap3A_46], %add3A_45 {strides = array<i32>} : memref<2704x64xf32, #tpu.memory_space<vmem>>, vector<2704x64xf32>,
    return
  }
}

module attributes {stable_mosaic.version = 14 : i64} {
  func.func @_decode_body(%arg0: memref<176x128xf32, #tpu.memory_space<vmem>>, %arg1: memref<176x128xf32, #tpu.memory_space<vmem>>, %arg2: memref<4x176x128xf32, #tpu.memory_space<vmem>>, %arg3: memref<4x176x128xf32, #tpu.memory_space<vmem>>, %arg4: memref<1x1xf32, #tpu.memory_space<vmem>>, %arg5: memref<176x128xf32, #tpu.memory_space<vmem>>, %arg6: memref<4x176x128xf32, #tpu.memory_space<vmem>>, %arg7: memref<176x128xi32, #tpu.memory_space<vmem>>, %arg8: memref<8x128xf32, #tpu.memory_space<vmem>>) attributes {dimension_semantics = [], scalar_prefetch = 0 : i64, scratch_operands = 0 : i64, tpu.core_type = #tpu.core_type<tc>} {
    %get3A = arith.constant 0 : index
    %get3A_0 = arith.constant 0 : index
    %get3A_1 = vector.load %arg0[%get3A, %get3A_0] : memref<176x128xf32, #tpu.memory_space<vmem>>, vector<176x128xf32>
    %get3A_2 = arith.constant 0 : index
    %get3A_3 = arith.constant 0 : index
    %get3A_4 = vector.load %arg1[%get3A_2, %get3A_3] : memref<176x128xf32, #tpu.memory_space<vmem>>, vector<176x128xf32>
    %max3A = arith.maximumf %get3A_1, %get3A_4 : vector<176x128xf32>
    %sub3A = arith.subf %get3A_1, %max3A : vector<176x128xf32>
    %exp3A = math.exp %sub3A : vector<176x128xf32>
    %sub3A_5 = arith.subf %get3A_4, %max3A : vector<176x128xf32>
    %exp3A_6 = math.exp %sub3A_5 : vector<176x128xf32>
    %add3A = arith.addf %exp3A, %exp3A_6 : vector<176x128xf32>
    %div3A = arith.divf %exp3A_6, %add3A : vector<176x128xf32>
    %get3A_7 = arith.constant 0 : index
    %get3A_8 = arith.constant 0 : index
    %get3A_9 = arith.constant 0 : index
    %get3A_10 = vector.load %arg3[%get3A_7, %get3A_8, %get3A_9] : memref<4x176x128xf32, #tpu.memory_space<vmem>>, vector<1x176x128xf32>
    %get3A_11 = vector.shape_cast %get3A_10 : vector<1x176x128xf32> to vector<176x128xf32>
    %get3A_12 = arith.constant 1 : index
    %get3A_13 = arith.constant 0 : index
    %get3A_14 = arith.constant 0 : index
    %get3A_15 = vector.load %arg3[%get3A_12, %get3A_13, %get3A_14] : memref<4x176x128xf32, #tpu.memory_space<vmem>>, vector<1x176x128xf32>
    %get3A_16 = vector.shape_cast %get3A_15 : vector<1x176x128xf32> to vector<176x128xf32>
    %get3A_17 = arith.constant 2 : index
    %get3A_18 = arith.constant 0 : index
    %get3A_19 = arith.constant 0 : index
    %get3A_20 = vector.load %arg3[%get3A_17, %get3A_18, %get3A_19] : memref<4x176x128xf32, #tpu.memory_space<vmem>>, vector<1x176x128xf32>
    %get3A_21 = vector.shape_cast %get3A_20 : vector<1x176x128xf32> to vector<176x128xf32>
    %get3A_22 = arith.constant 3 : index
    %get3A_23 = arith.constant 0 : index
    %get3A_24 = arith.constant 0 : index
    %get3A_25 = vector.load %arg3[%get3A_22, %get3A_23, %get3A_24] : memref<4x176x128xf32, #tpu.memory_space<vmem>>, vector<1x176x128xf32>
    %get3A_26 = vector.shape_cast %get3A_25 : vector<1x176x128xf32> to vector<176x128xf32>
    %sub3A_27 = arith.subf %get3A_21, %get3A_11 : vector<176x128xf32>
    %sub3A_28 = arith.subf %get3A_26, %get3A_16 : vector<176x128xf32>
    %mul3A = arith.constant 5.000000e-01 : f32
    %mul3A_29 = vector.broadcast %mul3A : f32 to vector<176x128xf32>
    %mul3A_30 = arith.mulf %mul3A_29, %sub3A_27 : vector<176x128xf32>
    %add3A_31 = arith.addf %get3A_11, %mul3A_30 : vector<176x128xf32>
    %mul3A_32 = arith.constant 5.000000e-01 : f32
    %mul3A_33 = vector.broadcast %mul3A_32 : f32 to vector<176x128xf32>
    %mul3A_34 = arith.mulf %mul3A_33, %sub3A_28 : vector<176x128xf32>
    %add3A_35 = arith.addf %get3A_16, %mul3A_34 : vector<176x128xf32>
    %get3A_36 = arith.constant 0 : index
    %get3A_37 = arith.constant 0 : index
    %get3A_38 = arith.constant 0 : index
    %get3A_39 = vector.load %arg2[%get3A_36, %get3A_37, %get3A_38] : memref<4x176x128xf32, #tpu.memory_space<vmem>>, vector<1x176x128xf32>
    %get3A_40 = vector.shape_cast %get3A_39 : vector<1x176x128xf32> to vector<176x128xf32>
    %get3A_41 = arith.constant 1 : index
    %get3A_42 = arith.constant 0 : index
    %get3A_43 = arith.constant 0 : index
    %get3A_44 = vector.load %arg2[%get3A_41, %get3A_42, %get3A_43] : memref<4x176x128xf32, #tpu.memory_space<vmem>>, vector<1x176x128xf32>
    %get3A_45 = vector.shape_cast %get3A_44 : vector<1x176x128xf32> to vector<176x128xf32>
    %get3A_46 = arith.constant 2 : index
    %get3A_47 = arith.constant 0 : index
    %get3A_48 = arith.constant 0 : index
    %get3A_49 = vector.load %arg2[%get3A_46, %get3A_47, %get3A_48] : memref<4x176x128xf32, #tpu.memory_space<vmem>>, vector<1x176x128xf32>
    %get3A_50 = vector.shape_cast %get3A_49 : vector<1x176x128xf32> to vector<176x128xf32>
    %get3A_51 = arith.constant 3 : index
    %get3A_52 = arith.constant 0 : index
    %get3A_53 = arith.constant 0 : index
    %get3A_54 = vector.load %arg2[%get3A_51, %get3A_52, %get3A_53] : memref<4x176x128xf32, #tpu.memory_space<vmem>>, vector<1x176x128xf32>
    %get3A_55 = vector.shape_cast %get3A_54 : vector<1x176x128xf32> to vector<176x128xf32>
    %mul3A_56 = arith.mulf %get3A_40, %sub3A_27 : vector<176x128xf32>
    %add3A_57 = arith.addf %mul3A_56, %add3A_31 : vector<176x128xf32>
    %mul3A_58 = arith.mulf %get3A_45, %sub3A_28 : vector<176x128xf32>
    %add3A_59 = arith.addf %mul3A_58, %add3A_35 : vector<176x128xf32>
    %exp3A_60 = math.exp %get3A_50 : vector<176x128xf32>
    %mul3A_61 = arith.mulf %exp3A_60, %sub3A_27 : vector<176x128xf32>
    %exp3A_62 = math.exp %get3A_55 : vector<176x128xf32>
    %mul3A_63 = arith.mulf %exp3A_62, %sub3A_28 : vector<176x128xf32>
    %mul3A_64 = arith.constant 5.000000e-01 : f32
    %mul3A_65 = vector.broadcast %mul3A_64 : f32 to vector<176x128xf32>
    %mul3A_66 = arith.mulf %mul3A_65, %mul3A_61 : vector<176x128xf32>
    %sub3A_67 = arith.subf %add3A_57, %mul3A_66 : vector<176x128xf32>
    %jit3A = arith.constant 0.000000e+00 : f32
    %jit3A_68 = arith.constant 8.000000e+02 : f32
    %max3A_69 = vector.broadcast %jit3A : f32 to vector<176x128xf32>
    %max3A_70 = arith.maximumf %max3A_69, %sub3A_67 : vector<176x128xf32>
    %min3A = vector.broadcast %jit3A_68 : f32 to vector<176x128xf32>
    %min3A_71 = arith.minimumf %min3A, %max3A_70 : vector<176x128xf32>
    %mul3A_72 = arith.constant 5.000000e-01 : f32
    %mul3A_73 = vector.broadcast %mul3A_72 : f32 to vector<176x128xf32>
    %mul3A_74 = arith.mulf %mul3A_73, %mul3A_63 : vector<176x128xf32>
    %sub3A_75 = arith.subf %add3A_59, %mul3A_74 : vector<176x128xf32>
    %jit3A_76 = arith.constant 0.000000e+00 : f32
    %jit3A_77 = arith.constant 8.000000e+02 : f32
    %max3A_78 = vector.broadcast %jit3A_76 : f32 to vector<176x128xf32>
    %max3A_79 = arith.maximumf %max3A_78, %sub3A_75 : vector<176x128xf32>
    %min3A_80 = vector.broadcast %jit3A_77 : f32 to vector<176x128xf32>
    %min3A_81 = arith.minimumf %min3A_80, %max3A_79 : vector<176x128xf32>
    %mul3A_82 = arith.constant 5.000000e-01 : f32
    %mul3A_83 = vector.broadcast %mul3A_82 : f32 to vector<176x128xf32>
    %mul3A_84 = arith.mulf %mul3A_83, %mul3A_61 : vector<176x128xf32>
    %add3A_85 = arith.addf %add3A_57, %mul3A_84 : vector<176x128xf32>
    %jit3A_86 = arith.constant 0.000000e+00 : f32
    %jit3A_87 = arith.constant 8.000000e+02 : f32
    %max3A_88 = vector.broadcast %jit3A_86 : f32 to vector<176x128xf32>
    %max3A_89 = arith.maximumf %max3A_88, %add3A_85 : vector<176x128xf32>
    %min3A_90 = vector.broadcast %jit3A_87 : f32 to vector<176x128xf32>
    %min3A_91 = arith.minimumf %min3A_90, %max3A_89 : vector<176x128xf32>
    %mul3A_92 = arith.constant 5.000000e-01 : f32
    %mul3A_93 = vector.broadcast %mul3A_92 : f32 to vector<176x128xf32>
    %mul3A_94 = arith.mulf %mul3A_93, %mul3A_63 : vector<176x128xf32>
    %add3A_95 = arith.addf %add3A_59, %mul3A_94 : vector<176x128xf32>
    %jit3A_96 = arith.constant 0.000000e+00 : f32
    %jit3A_97 = arith.constant 8.000000e+02 : f32
    %max3A_98 = vector.broadcast %jit3A_96 : f32 to vector<176x128xf32>
    %max3A_99 = arith.maximumf %max3A_98, %add3A_95 : vector<176x128xf32>
    %min3A_100 = vector.broadcast %jit3A_97 : f32 to vector<176x128xf32>
    %min3A_101 = arith.minimumf %min3A_100, %max3A_99 : vector<176x128xf32>
    %swap3A = arith.constant 0 : index
    %swap3A_102 = arith.constant 0 : index
    %swap3A_103 = arith.constant 0 : index
    %swap3A_104 = vector.load %arg6[%swap3A, %swap3A_102, %swap3A_103] : memref<4x176x128xf32, #tpu.memory_space<vmem>>, vector<1x176x128xf32>
    %swap3A_105 = vector.shape_cast %swap3A_104 : vector<1x176x128xf32> to vector<176x128xf32>
    %swap3A_106 = vector.shape_cast %min3A_71 : vector<176x128xf32> to vector<1x176x128xf32>
    tpu.vector_store %arg6[%swap3A, %swap3A_102, %swap3A_103], %swap3A_106 {strides = array<i32>} : memref<4x176x128xf32, #tpu.memory_space<vmem>>, vector<1x176x128xf32>,
    %swap3A_107 = arith.constant 1 : index
    %swap3A_108 = arith.constant 0 : index
    %swap3A_109 = arith.constant 0 : index
    %swap3A_110 = vector.load %arg6[%swap3A_107, %swap3A_108, %swap3A_109] : memref<4x176x128xf32, #tpu.memory_space<vmem>>, vector<1x176x128xf32>
    %swap3A_111 = vector.shape_cast %swap3A_110 : vector<1x176x128xf32> to vector<176x128xf32>
    %swap3A_112 = vector.shape_cast %min3A_81 : vector<176x128xf32> to vector<1x176x128xf32>
    tpu.vector_store %arg6[%swap3A_107, %swap3A_108, %swap3A_109], %swap3A_112 {strides = array<i32>} : memref<4x176x128xf32, #tpu.memory_space<vmem>>, vector<1x176x128xf32>,
    %swap3A_113 = arith.constant 2 : index
    %swap3A_114 = arith.constant 0 : index
    %swap3A_115 = arith.constant 0 : index
    %swap3A_116 = vector.load %arg6[%swap3A_113, %swap3A_114, %swap3A_115] : memref<4x176x128xf32, #tpu.memory_space<vmem>>, vector<1x176x128xf32>
    %swap3A_117 = vector.shape_cast %swap3A_116 : vector<1x176x128xf32> to vector<176x128xf32>
    %swap3A_118 = vector.shape_cast %min3A_91 : vector<176x128xf32> to vector<1x176x128xf32>
    tpu.vector_store %arg6[%swap3A_113, %swap3A_114, %swap3A_115], %swap3A_118 {strides = array<i32>} : memref<4x176x128xf32, #tpu.memory_space<vmem>>, vector<1x176x128xf32>,
    %swap3A_119 = arith.constant 3 : index
    %swap3A_120 = arith.constant 0 : index
    %swap3A_121 = arith.constant 0 : index
    %swap3A_122 = vector.load %arg6[%swap3A_119, %swap3A_120, %swap3A_121] : memref<4x176x128xf32, #tpu.memory_space<vmem>>, vector<1x176x128xf32>
    %swap3A_123 = vector.shape_cast %swap3A_122 : vector<1x176x128xf32> to vector<176x128xf32>
    %swap3A_124 = vector.shape_cast %min3A_101 : vector<176x128xf32> to vector<1x176x128xf32>
    tpu.vector_store %arg6[%swap3A_119, %swap3A_120, %swap3A_121], %swap3A_124 {strides = array<i32>} : memref<4x176x128xf32, #tpu.memory_space<vmem>>, vector<1x176x128xf32>,
    %get3A_125 = arith.constant 0 : index
    %get3A_126 = arith.constant 0 : index
    %get3A_127 = vector.load %arg4[%get3A_125, %get3A_126] : memref<1x1xf32, #tpu.memory_space<vmem>>, vector<1x1xf32>
    %get3A_128 = vector.extract %get3A_127[0, 0] : f32 from vector<1x1xf32>
    %sub3A_129 = arith.subf %min3A_91, %min3A_71 : vector<176x128xf32>
    %ge3A = vector.broadcast %get3A_128 : f32 to vector<176x128xf32>
    %ge3A_130 = arith.cmpf oge, %sub3A_129, %ge3A : vector<176x128xf32>
    %sub3A_131 = arith.subf %min3A_101, %min3A_81 : vector<176x128xf32>
    %ge3A_132 = vector.broadcast %get3A_128 : f32 to vector<176x128xf32>
    %ge3A_133 = arith.cmpf oge, %sub3A_131, %ge3A_132 : vector<176x128xf32>
    %and3A = arith.andi %ge3A_130, %ge3A_133 : vector<176x128xi1>
    %iota3A = tpu.iota {dimensions = array<i32: 0>} : vector<176x128xi32>
    %iota3A_134 = tpu.iota {dimensions = array<i32: 1>} : vector<176x128xi32>
    %mul3A_135 = arith.constant 128 : i32
    %mul3A_136 = vector.broadcast %mul3A_135 : i32 to vector<176x128xi32>
    %mul3A_137 = arith.muli %iota3A, %mul3A_136 : vector<176x128xi32>
    %add3A_138 = arith.addi %mul3A_137, %iota3A_134 : vector<176x128xi32>
    %lt3A = arith.constant 22500 : i32
    %lt3A_139 = vector.broadcast %lt3A : i32 to vector<176x128xi32>
    %lt3A_140 = arith.cmpi slt, %add3A_138, %lt3A_139 : vector<176x128xi32>
    %and3A_141 = arith.andi %and3A, %lt3A_140 : vector<176x128xi1>
    %jit3A_142 = arith.constant 0xFF800000 : f32
    %broadcast_in_dim3A = vector.broadcast %jit3A_142 : f32 to vector<176x128xf32>
    %select_n3A = arith.select %and3A_141, %div3A, %broadcast_in_dim3A : vector<176x128xi1>, vector<176x128xf32>
    %swap3A_143 = arith.constant 0 : index
    %swap3A_144 = arith.constant 0 : index
    %swap3A_145 = vector.load %arg5[%swap3A_143, %swap3A_144] : memref<176x128xf32, #tpu.memory_space<vmem>>, vector<176x128xf32>
    tpu.vector_store %arg5[%swap3A_143, %swap3A_144], %select_n3A {strides = array<i32>} : memref<176x128xf32, #tpu.memory_space<vmem>>, vector<176x128xf32>,
    %bitcast_convert_type3A = tpu.bitcast %select_n3A : vector<176x128xf32> -> vector<176x128xi32>
    %shift_right_arithmetic3A = arith.constant 31 : i32
    %shift_right_arithmetic3A_146 = vector.broadcast %shift_right_arithmetic3A : i32 to vector<176x128xi32>
    %shift_right_arithmetic3A_147 = arith.shrsi %bitcast_convert_type3A, %shift_right_arithmetic3A_146 : vector<176x128xi32>
    %and3A_148 = arith.constant 2147483647 : i32
    %and3A_149 = vector.broadcast %and3A_148 : i32 to vector<176x128xi32>
    %and3A_150 = arith.andi %shift_right_arithmetic3A_147, %and3A_149 : vector<176x128xi32>
    %xor3A = arith.xori %bitcast_convert_type3A, %and3A_150 : vector<176x128xi32>
    %scan3A = arith.constant -16777216 : i32
    %scan3A_151 = arith.constant 1073741824 : i32
    %scan3A_152 = arith.constant 0 : i32
    %scan3A_153 = arith.constant 32 : i32
    %scan3A_154 = arith.addi %scan3A_152, %scan3A_153 : i32
    %scan3A_155 = arith.constant 1 : i32
    %scan3A_156:2 = scf.for %scan3A_253 = %scan3A_152 to %scan3A_154 step %scan3A_155 iter_args(%scan3A_254 = %scan3A, %scan3A_255 = %scan3A_151) -> (i32, i32)  : i32 {
      %sub3A_256 = arith.subi %scan3A_255, %scan3A_254 : i32
      %jit3A_257 = arith.constant 2 : i32
      %div3A_258 = arith.divsi %sub3A_256, %jit3A_257 : i32
      %sign3A = arith.constant 0 : i32
      %sign3A_259 = arith.cmpi sgt, %sub3A_256, %sign3A : i32
      %sign3A_260 = arith.extui %sign3A_259 : i1 to i32
      %sign3A_261 = arith.constant 0 : i32
      %sign3A_262 = arith.cmpi slt, %sub3A_256, %sign3A_261 : i32
      %sign3A_263 = arith.extui %sign3A_262 : i1 to i32
      %sign3A_264 = arith.subi %sign3A_260, %sign3A_263 : i32
      %sign3A_265 = arith.constant 0 : i32
      %sign3A_266 = arith.cmpi sgt, %jit3A_257, %sign3A_265 : i32
      %sign3A_267 = arith.extui %sign3A_266 : i1 to i32
      %sign3A_268 = arith.constant 0 : i32
      %sign3A_269 = arith.cmpi slt, %jit3A_257, %sign3A_268 : i32
      %sign3A_270 = arith.extui %sign3A_269 : i1 to i32
      %sign3A_271 = arith.subi %sign3A_267, %sign3A_270 : i32
      %ne3A = arith.cmpi ne, %sign3A_264, %sign3A_271 : i32
      %rem3A = arith.remsi %sub3A_256, %jit3A_257 : i32
      %ne3A_272 = arith.constant 0 : i32
      %ne3A_273 = arith.cmpi ne, %rem3A, %ne3A_272 : i32
      %and3A_274 = arith.andi %ne3A, %ne3A_273 : i1
      %sub3A_275 = arith.constant 1 : i32
      %sub3A_276 = arith.subi %div3A_258, %sub3A_275 : i32
      %select_n3A_277 = arith.select %and3A_274, %sub3A_276, %div3A_258 : i32
      %add3A_278 = arith.addi %scan3A_254, %select_n3A_277 : i32
      %ge3A_279 = vector.broadcast %add3A_278 : i32 to vector<176x128xi32>
      %ge3A_280 = arith.cmpi sge, %xor3A, %ge3A_279 : vector<176x128xi32>
      %convert_element_type3A_281 = arith.extui %ge3A_280 : vector<176x128xi1> to vector<176x128xi32>
      %reduce_sum3A_282 = vector.shape_cast %convert_element_type3A_281 : vector<176x128xi32> to vector<1x176x128xi32>
      %reduce_sum3A_283 = arith.constant dense<0> : vector<1xi32>
      %reduce_sum3A_284 = vector.multi_reduction <add>, %reduce_sum3A_282, %reduce_sum3A_283 [1, 2] : vector<1x176x128xi32> to vector<1xi32>
      %reduce_sum3A_285 = vector.shape_cast %reduce_sum3A_284 : vector<1xi32> to vector<1x1x1xi32>
      %reduce_sum3A_286 = vector.extract %reduce_sum3A_285[0, 0, 0] : i32 from vector<1x1x1xi32>
      %ge3A_287 = arith.constant 2000 : i32
      %ge3A_288 = arith.cmpi sge, %reduce_sum3A_286, %ge3A_287 : i32
      %select_n3A_289 = arith.select %ge3A_288, %add3A_278, %scan3A_254 : i32
      %select_n3A_290 = arith.select %ge3A_288, %scan3A_255, %add3A_278 : i32
      scf.yield %select_n3A_289, %select_n3A_290 : i32, i32
    }
    %gt3A = arith.constant 0xFF800000 : f32
    %gt3A_157 = vector.broadcast %gt3A : f32 to vector<176x128xf32>
    %gt3A_158 = arith.cmpf ogt, %select_n3A, %gt3A_157 : vector<176x128xf32>
    %ge3A_159 = vector.broadcast %scan3A_156#0 : i32 to vector<176x128xi32>
    %ge3A_160 = arith.cmpi sge, %xor3A, %ge3A_159 : vector<176x128xi32>
    %and3A_161 = arith.andi %ge3A_160, %gt3A_158 : vector<176x128xi1>
    %convert_element_type3A = arith.extui %and3A_161 : vector<176x128xi1> to vector<176x128xi32>
    %convert_element_type3A_162 = arith.sitofp %convert_element_type3A : vector<176x128xi32> to vector<176x128xf32>
    %iota3A_163 = tpu.iota {dimensions = array<i32: 0>} : vector<128x128xi32>
    %iota3A_164 = tpu.iota {dimensions = array<i32: 1>} : vector<128x128xi32>
    %le3A = arith.cmpi sle, %iota3A_163, %iota3A_164 : vector<128x128xi32>
    %convert_element_type3A_165 = arith.extui %le3A : vector<128x128xi1> to vector<128x128xi32>
    %convert_element_type3A_166 = arith.sitofp %convert_element_type3A_165 : vector<128x128xi32> to vector<128x128xf32>
    %dot_general3A = arith.constant dense<0.000000e+00> : vector<176x128xf32>
    %dot_general3A_167 = tpu.matmul %convert_element_type3A_162, %convert_element_type3A_166, %dot_general3A {dimension_numbers = #tpu.dot_dimension_numbers<[1], [0], [0], [1], [0, 0, 1, 1], [], []>, transpose_lhs_hint = false} : vector<176x128xf32>, vector<128x128xf32>, vector<176x128xf32> -> vector<176x128xf32>
    %slice3A = vector.extract_strided_slice %dot_general3A_167 {offsets = [0, 127], sizes = [176, 1], strides = [1, 1]} : vector<176x128xf32> to vector<176x1xf32>
    %iota3A_168 = tpu.iota {dimensions = array<i32: 1>} : vector<176x176xi32>
    %iota3A_169 = tpu.iota {dimensions = array<i32: 0>} : vector<176x176xi32>
    %lt3A_170 = arith.cmpi slt, %iota3A_168, %iota3A_169 : vector<176x176xi32>
    %convert_element_type3A_171 = arith.extui %lt3A_170 : vector<176x176xi1> to vector<176x176xi32>
    %convert_element_type3A_172 = arith.sitofp %convert_element_type3A_171 : vector<176x176xi32> to vector<176x176xf32>
    %dot_general3A_173 = arith.constant dense<0.000000e+00> : vector<176x1xf32>
    %dot_general3A_174 = tpu.matmul %convert_element_type3A_172, %slice3A, %dot_general3A_173 {dimension_numbers = #tpu.dot_dimension_numbers<[1], [0], [0], [1], [0, 0, 1, 1], [], []>, transpose_lhs_hint = false} : vector<176x176xf32>, vector<176x1xf32>, vector<176x1xf32> -> vector<176x1xf32>
    %add3A_175 = vector.broadcast %dot_general3A_174 : vector<176x1xf32> to vector<176x128xf32>
    %add3A_176 = arith.addf %add3A_175, %dot_general3A_167 : vector<176x128xf32>
    %sub3A_177 = arith.subf %add3A_176, %convert_element_type3A_162 : vector<176x128xf32>
    %convert_element_type3A_178 = arith.fptosi %sub3A_177 : vector<176x128xf32> to vector<176x128xi32>
    %lt3A_179 = arith.constant 2048 : i32
    %lt3A_180 = vector.broadcast %lt3A_179 : i32 to vector<176x128xi32>
    %lt3A_181 = arith.cmpi slt, %convert_element_type3A_178, %lt3A_180 : vector<176x128xi32>
    %and3A_182 = arith.andi %and3A_161, %lt3A_181 : vector<176x128xi1>
    %jit3A_183 = arith.constant 2048 : i32
    %broadcast_in_dim3A_184 = vector.broadcast %jit3A_183 : i32 to vector<176x128xi32>
    %select_n3A_185 = arith.select %and3A_182, %convert_element_type3A_178, %broadcast_in_dim3A_184 : vector<176x128xi1>, vector<176x128xi32>
    %swap3A_186 = arith.constant 0 : index
    %swap3A_187 = arith.constant 0 : index
    %swap3A_188 = vector.load %arg7[%swap3A_186, %swap3A_187] : memref<176x128xi32, #tpu.memory_space<vmem>>, vector<176x128xi32>
    tpu.vector_store %arg7[%swap3A_186, %swap3A_187], %select_n3A_185 {strides = array<i32>} : memref<176x128xi32, #tpu.memory_space<vmem>>, vector<176x128xi32>,
    %reduce_max3A = vector.shape_cast %select_n3A : vector<176x128xf32> to vector<1x176x128xf32>
    %reduce_max3A_189 = arith.constant dense<0xFF800000> : vector<1xf32>
    %reduce_max3A_190 = vector.multi_reduction <maximumf>, %reduce_max3A, %reduce_max3A_189 [1, 2] : vector<1x176x128xf32> to vector<1xf32>
    %reduce_max3A_191 = vector.shape_cast %reduce_max3A_190 : vector<1xf32> to vector<1x1x1xf32>
    %reduce_max3A_192 = vector.extract %reduce_max3A_191[0, 0, 0] : f32 from vector<1x1x1xf32>
    %eq3A = vector.broadcast %reduce_max3A_192 : f32 to vector<176x128xf32>
    %eq3A_193 = arith.cmpf oeq, %select_n3A, %eq3A : vector<176x128xf32>
    %iota3A_194 = tpu.iota {dimensions = array<i32: 1>} : vector<1x128xi32>
    %jit3A_195 = arith.constant 0.000000e+00 : f32
    %broadcast_in_dim3A_196 = vector.broadcast %jit3A_195 : f32 to vector<176x128xf32>
    %select_n3A_197 = arith.select %eq3A_193, %min3A_71, %broadcast_in_dim3A_196 : vector<176x128xi1>, vector<176x128xf32>
    %reduce_sum3A = vector.shape_cast %select_n3A_197 : vector<176x128xf32> to vector<1x176x128xf32>
    %reduce_sum3A_198 = arith.constant dense<0.000000e+00> : vector<1xf32>
    %reduce_sum3A_199 = vector.multi_reduction <add>, %reduce_sum3A, %reduce_sum3A_198 [1, 2] : vector<1x176x128xf32> to vector<1xf32>
    %reduce_sum3A_200 = vector.shape_cast %reduce_sum3A_199 : vector<1xf32> to vector<1x1x1xf32>
    %reduce_sum3A_201 = vector.extract %reduce_sum3A_200[0, 0, 0] : f32 from vector<1x1x1xf32>
    %jit3A_202 = arith.constant 0.000000e+00 : f32
    %broadcast_in_dim3A_203 = vector.broadcast %jit3A_202 : f32 to vector<176x128xf32>
    %select_n3A_204 = arith.select %eq3A_193, %min3A_81, %broadcast_in_dim3A_203 : vector<176x128xi1>, vector<176x128xf32>
    %reduce_sum3A_205 = vector.shape_cast %select_n3A_204 : vector<176x128xf32> to vector<1x176x128xf32>
    %reduce_sum3A_206 = arith.constant dense<0.000000e+00> : vector<1xf32>
    %reduce_sum3A_207 = vector.multi_reduction <add>, %reduce_sum3A_205, %reduce_sum3A_206 [1, 2] : vector<1x176x128xf32> to vector<1xf32>
    %reduce_sum3A_208 = vector.shape_cast %reduce_sum3A_207 : vector<1xf32> to vector<1x1x1xf32>
    %reduce_sum3A_209 = vector.extract %reduce_sum3A_208[0, 0, 0] : f32 from vector<1x1x1xf32>
    %jit3A_210 = arith.constant 0.000000e+00 : f32
    %broadcast_in_dim3A_211 = vector.broadcast %jit3A_210 : f32 to vector<176x128xf32>
    %select_n3A_212 = arith.select %eq3A_193, %min3A_91, %broadcast_in_dim3A_211 : vector<176x128xi1>, vector<176x128xf32>
    %reduce_sum3A_213 = vector.shape_cast %select_n3A_212 : vector<176x128xf32> to vector<1x176x128xf32>
    %reduce_sum3A_214 = arith.constant dense<0.000000e+00> : vector<1xf32>
    %reduce_sum3A_215 = vector.multi_reduction <add>, %reduce_sum3A_213, %reduce_sum3A_214 [1, 2] : vector<1x176x128xf32> to vector<1xf32>
    %reduce_sum3A_216 = vector.shape_cast %reduce_sum3A_215 : vector<1xf32> to vector<1x1x1xf32>
    %reduce_sum3A_217 = vector.extract %reduce_sum3A_216[0, 0, 0] : f32 from vector<1x1x1xf32>
    %jit3A_218 = arith.constant 0.000000e+00 : f32
    %broadcast_in_dim3A_219 = vector.broadcast %jit3A_218 : f32 to vector<176x128xf32>
    %select_n3A_220 = arith.select %eq3A_193, %min3A_101, %broadcast_in_dim3A_219 : vector<176x128xi1>, vector<176x128xf32>
    %reduce_sum3A_221 = vector.shape_cast %select_n3A_220 : vector<176x128xf32> to vector<1x176x128xf32>
    %reduce_sum3A_222 = arith.constant dense<0.000000e+00> : vector<1xf32>
    %reduce_sum3A_223 = vector.multi_reduction <add>, %reduce_sum3A_221, %reduce_sum3A_222 [1, 2] : vector<1x176x128xf32> to vector<1xf32>
    %reduce_sum3A_224 = vector.shape_cast %reduce_sum3A_223 : vector<1xf32> to vector<1x1x1xf32>
    %reduce_sum3A_225 = vector.extract %reduce_sum3A_224[0, 0, 0] : f32 from vector<1x1x1xf32>
    %eq3A_226 = arith.constant 0 : i32
    %eq3A_227 = vector.broadcast %eq3A_226 : i32 to vector<1x128xi32>
    %eq3A_228 = arith.cmpi eq, %iota3A_194, %eq3A_227 : vector<1x128xi32>
    %eq3A_229 = arith.constant 1 : i32
    %eq3A_230 = vector.broadcast %eq3A_229 : i32 to vector<1x128xi32>
    %eq3A_231 = arith.cmpi eq, %iota3A_194, %eq3A_230 : vector<1x128xi32>
    %eq3A_232 = arith.constant 2 : i32
    %eq3A_233 = vector.broadcast %eq3A_232 : i32 to vector<1x128xi32>
    %eq3A_234 = arith.cmpi eq, %iota3A_194, %eq3A_233 : vector<1x128xi32>
    %eq3A_235 = arith.constant 3 : i32
    %eq3A_236 = vector.broadcast %eq3A_235 : i32 to vector<1x128xi32>
    %eq3A_237 = arith.cmpi eq, %iota3A_194, %eq3A_236 : vector<1x128xi32>
    %jit3A_238 = arith.constant 0.000000e+00 : f32
    %broadcast_in_dim3A_239 = vector.broadcast %reduce_sum3A_225 : f32 to vector<1x128xf32>
    %broadcast_in_dim3A_240 = vector.broadcast %jit3A_238 : f32 to vector<1x128xf32>
    %select_n3A_241 = arith.select %eq3A_237, %broadcast_in_dim3A_239, %broadcast_in_dim3A_240 : vector<1x128xi1>, vector<1x128xf32>
    %broadcast_in_dim3A_242 = vector.broadcast %reduce_sum3A_217 : f32 to vector<1x128xf32>
    %select_n3A_243 = arith.select %eq3A_234, %broadcast_in_dim3A_242, %select_n3A_241 : vector<1x128xi1>, vector<1x128xf32>
    %broadcast_in_dim3A_244 = vector.broadcast %reduce_sum3A_209 : f32 to vector<1x128xf32>
    %select_n3A_245 = arith.select %eq3A_231, %broadcast_in_dim3A_244, %select_n3A_243 : vector<1x128xi1>, vector<1x128xf32>
    %broadcast_in_dim3A_246 = vector.broadcast %reduce_sum3A_201 : f32 to vector<1x128xf32>
    %select_n3A_247 = arith.select %eq3A_228, %broadcast_in_dim3A_246, %select_n3A_245 : vector<1x128xi1>, vector<1x128xf32>
    %broadcast_in_dim3A_248 = vector.shape_cast %select_n3A_247 : vector<1x128xf32> to vector<1x128xf32>
    %broadcast_in_dim3A_249 = vector.broadcast %broadcast_in_dim3A_248 : vector<1x128xf32> to vector<8x128xf32>
    %swap3A_250 = arith.constant 0 : index
    %swap3A_251 = arith.constant 0 : index
    %swap3A_252 = vector.load %arg8[%swap3A_250, %swap3A_251] : memref<8x128xf32, #tpu.memory_space<vmem>>, vector<8x128xf32>
    tpu.vector_store %arg8[%swap3A_250, %swap3A_251], %broadcast_in_dim3A_249 {strides = array<i32>} : memref<8x128xf32, #tpu.memory_space<vmem>>, vector<8x128xf32>,
    return
  }
}

module attributes {stable_mosaic.version = 14 : i64} {
  func.func @_nms_body(%arg0: memref<4x16x128xf32, #tpu.memory_space<vmem>>, %arg1: memref<16x128xf32, #tpu.memory_space<vmem>>, %arg2: memref<8x128xf32, #tpu.memory_space<vmem>>, %arg3: memref<304x128xf32, #tpu.memory_space<vmem>>) attributes {dimension_semantics = [], scalar_prefetch = 0 : i64, scratch_operands = 0 : i64, tpu.core_type = #tpu.core_type<tc>} {
    %get3A = arith.constant 0 : index
    %get3A_0 = arith.constant 0 : index
    %get3A_1 = arith.constant 0 : index
    %get3A_2 = vector.load %arg0[%get3A, %get3A_0, %get3A_1] : memref<4x16x128xf32, #tpu.memory_space<vmem>>, vector<1x16x128xf32>
    %get3A_3 = vector.shape_cast %get3A_2 : vector<1x16x128xf32> to vector<16x128xf32>
    %get3A_4 = arith.constant 1 : index
    %get3A_5 = arith.constant 0 : index
    %get3A_6 = arith.constant 0 : index
    %get3A_7 = vector.load %arg0[%get3A_4, %get3A_5, %get3A_6] : memref<4x16x128xf32, #tpu.memory_space<vmem>>, vector<1x16x128xf32>
    %get3A_8 = vector.shape_cast %get3A_7 : vector<1x16x128xf32> to vector<16x128xf32>
    %get3A_9 = arith.constant 2 : index
    %get3A_10 = arith.constant 0 : index
    %get3A_11 = arith.constant 0 : index
    %get3A_12 = vector.load %arg0[%get3A_9, %get3A_10, %get3A_11] : memref<4x16x128xf32, #tpu.memory_space<vmem>>, vector<1x16x128xf32>
    %get3A_13 = vector.shape_cast %get3A_12 : vector<1x16x128xf32> to vector<16x128xf32>
    %get3A_14 = arith.constant 3 : index
    %get3A_15 = arith.constant 0 : index
    %get3A_16 = arith.constant 0 : index
    %get3A_17 = vector.load %arg0[%get3A_14, %get3A_15, %get3A_16] : memref<4x16x128xf32, #tpu.memory_space<vmem>>, vector<1x16x128xf32>
    %get3A_18 = vector.shape_cast %get3A_17 : vector<1x16x128xf32> to vector<16x128xf32>
    %sub3A = arith.subf %get3A_13, %get3A_3 : vector<16x128xf32>
    %sub3A_19 = arith.subf %get3A_18, %get3A_8 : vector<16x128xf32>
    %mul3A = arith.mulf %sub3A, %sub3A_19 : vector<16x128xf32>
    %iota3A = tpu.iota {dimensions = array<i32: 1>} : vector<1x128xi32>
    %get3A_20 = arith.constant 0 : index
    %get3A_21 = arith.constant 0 : index
    %get3A_22 = vector.load %arg1[%get3A_20, %get3A_21] : memref<16x128xf32, #tpu.memory_space<vmem>>, vector<16x128xf32>
    %scan3A = arith.constant 0 : i32
    %scan3A_23 = arith.constant 300 : i32
    %scan3A_24 = arith.addi %scan3A, %scan3A_23 : i32
    %scan3A_25 = arith.constant 1 : i32
    %scan3A_26 = scf.for %scan3A_28 = %scan3A to %scan3A_24 step %scan3A_25 iter_args(%scan3A_29 = %get3A_22) -> (vector<16x128xf32>)  : i32 {
      %reduce_max3A = vector.shape_cast %scan3A_29 : vector<16x128xf32> to vector<1x16x128xf32>
      %reduce_max3A_30 = arith.constant dense<0xFF800000> : vector<1xf32>
      %reduce_max3A_31 = vector.multi_reduction <maximumf>, %reduce_max3A, %reduce_max3A_30 [1, 2] : vector<1x16x128xf32> to vector<1xf32>
      %reduce_max3A_32 = vector.shape_cast %reduce_max3A_31 : vector<1xf32> to vector<1x1x1xf32>
      %reduce_max3A_33 = vector.extract %reduce_max3A_32[0, 0, 0] : f32 from vector<1x1x1xf32>
      %eq3A = arith.constant 0xFF800000 : f32
      %eq3A_34 = arith.cmpf oeq, %reduce_max3A_33, %eq3A : f32
      %eq3A_35 = vector.broadcast %reduce_max3A_33 : f32 to vector<16x128xf32>
      %eq3A_36 = arith.cmpf oeq, %scan3A_29, %eq3A_35 : vector<16x128xf32>
      %get3A_37 = arith.constant 0 : index
      %get3A_38 = arith.constant 0 : index
      %get3A_39 = vector.load %arg2[%get3A_37, %get3A_38] : memref<8x128xf32, #tpu.memory_space<vmem>>, vector<1x1xf32>
      %get3A_40 = vector.extract %get3A_39[0, 0] : f32 from vector<1x1xf32>
      %jit3A = arith.constant 0.000000e+00 : f32
      %broadcast_in_dim3A = vector.broadcast %jit3A : f32 to vector<16x128xf32>
      %select_n3A = arith.select %eq3A_36, %get3A_3, %broadcast_in_dim3A : vector<16x128xi1>, vector<16x128xf32>
      %reduce_sum3A = vector.shape_cast %select_n3A : vector<16x128xf32> to vector<1x16x128xf32>
      %reduce_sum3A_41 = arith.constant dense<0.000000e+00> : vector<1xf32>
      %reduce_sum3A_42 = vector.multi_reduction <add>, %reduce_sum3A, %reduce_sum3A_41 [1, 2] : vector<1x16x128xf32> to vector<1xf32>
      %reduce_sum3A_43 = vector.shape_cast %reduce_sum3A_42 : vector<1xf32> to vector<1x1x1xf32>
      %reduce_sum3A_44 = vector.extract %reduce_sum3A_43[0, 0, 0] : f32 from vector<1x1x1xf32>
      %select_n3A_45 = arith.select %eq3A_34, %get3A_40, %reduce_sum3A_44 : f32
      %get3A_46 = arith.constant 0 : index
      %get3A_47 = arith.constant 1 : index
      %get3A_48 = vector.load %arg2[%get3A_46, %get3A_47] : memref<8x128xf32, #tpu.memory_space<vmem>>, vector<1x1xf32>
      %get3A_49 = vector.extract %get3A_48[0, 0] : f32 from vector<1x1xf32>
      %jit3A_50 = arith.constant 0.000000e+00 : f32
      %broadcast_in_dim3A_51 = vector.broadcast %jit3A_50 : f32 to vector<16x128xf32>
      %select_n3A_52 = arith.select %eq3A_36, %get3A_8, %broadcast_in_dim3A_51 : vector<16x128xi1>, vector<16x128xf32>
      %reduce_sum3A_53 = vector.shape_cast %select_n3A_52 : vector<16x128xf32> to vector<1x16x128xf32>
      %reduce_sum3A_54 = arith.constant dense<0.000000e+00> : vector<1xf32>
      %reduce_sum3A_55 = vector.multi_reduction <add>, %reduce_sum3A_53, %reduce_sum3A_54 [1, 2] : vector<1x16x128xf32> to vector<1xf32>
      %reduce_sum3A_56 = vector.shape_cast %reduce_sum3A_55 : vector<1xf32> to vector<1x1x1xf32>
      %reduce_sum3A_57 = vector.extract %reduce_sum3A_56[0, 0, 0] : f32 from vector<1x1x1xf32>
      %select_n3A_58 = arith.select %eq3A_34, %get3A_49, %reduce_sum3A_57 : f32
      %get3A_59 = arith.constant 0 : index
      %get3A_60 = arith.constant 2 : index
      %get3A_61 = vector.load %arg2[%get3A_59, %get3A_60] : memref<8x128xf32, #tpu.memory_space<vmem>>, vector<1x1xf32>
      %get3A_62 = vector.extract %get3A_61[0, 0] : f32 from vector<1x1xf32>
      %jit3A_63 = arith.constant 0.000000e+00 : f32
      %broadcast_in_dim3A_64 = vector.broadcast %jit3A_63 : f32 to vector<16x128xf32>
      %select_n3A_65 = arith.select %eq3A_36, %get3A_13, %broadcast_in_dim3A_64 : vector<16x128xi1>, vector<16x128xf32>
      %reduce_sum3A_66 = vector.shape_cast %select_n3A_65 : vector<16x128xf32> to vector<1x16x128xf32>
      %reduce_sum3A_67 = arith.constant dense<0.000000e+00> : vector<1xf32>
      %reduce_sum3A_68 = vector.multi_reduction <add>, %reduce_sum3A_66, %reduce_sum3A_67 [1, 2] : vector<1x16x128xf32> to vector<1xf32>
      %reduce_sum3A_69 = vector.shape_cast %reduce_sum3A_68 : vector<1xf32> to vector<1x1x1xf32>
      %reduce_sum3A_70 = vector.extract %reduce_sum3A_69[0, 0, 0] : f32 from vector<1x1x1xf32>
      %select_n3A_71 = arith.select %eq3A_34, %get3A_62, %reduce_sum3A_70 : f32
      %get3A_72 = arith.constant 0 : index
      %get3A_73 = arith.constant 3 : index
      %get3A_74 = vector.load %arg2[%get3A_72, %get3A_73] : memref<8x128xf32, #tpu.memory_space<vmem>>, vector<1x1xf32>
      %get3A_75 = vector.extract %get3A_74[0, 0] : f32 from vector<1x1xf32>
      %jit3A_76 = arith.constant 0.000000e+00 : f32
      %broadcast_in_dim3A_77 = vector.broadcast %jit3A_76 : f32 to vector<16x128xf32>
      %select_n3A_78 = arith.select %eq3A_36, %get3A_18, %broadcast_in_dim3A_77 : vector<16x128xi1>, vector<16x128xf32>
      %reduce_sum3A_79 = vector.shape_cast %select_n3A_78 : vector<16x128xf32> to vector<1x16x128xf32>
      %reduce_sum3A_80 = arith.constant dense<0.000000e+00> : vector<1xf32>
      %reduce_sum3A_81 = vector.multi_reduction <add>, %reduce_sum3A_79, %reduce_sum3A_80 [1, 2] : vector<1x16x128xf32> to vector<1xf32>
      %reduce_sum3A_82 = vector.shape_cast %reduce_sum3A_81 : vector<1xf32> to vector<1x1x1xf32>
      %reduce_sum3A_83 = vector.extract %reduce_sum3A_82[0, 0, 0] : f32 from vector<1x1x1xf32>
      %select_n3A_84 = arith.select %eq3A_34, %get3A_75, %reduce_sum3A_83 : f32
      %sub3A_85 = arith.subf %select_n3A_71, %select_n3A_45 : f32
      %sub3A_86 = arith.subf %select_n3A_84, %select_n3A_58 : f32
      %mul3A_87 = arith.mulf %sub3A_85, %sub3A_86 : f32
      %max3A = vector.broadcast %select_n3A_45 : f32 to vector<16x128xf32>
      %max3A_88 = arith.maximumf %max3A, %get3A_3 : vector<16x128xf32>
      %max3A_89 = vector.broadcast %select_n3A_58 : f32 to vector<16x128xf32>
      %max3A_90 = arith.maximumf %max3A_89, %get3A_8 : vector<16x128xf32>
      %min3A = vector.broadcast %select_n3A_71 : f32 to vector<16x128xf32>
      %min3A_91 = arith.minimumf %min3A, %get3A_13 : vector<16x128xf32>
      %min3A_92 = vector.broadcast %select_n3A_84 : f32 to vector<16x128xf32>
      %min3A_93 = arith.minimumf %min3A_92, %get3A_18 : vector<16x128xf32>
      %sub3A_94 = arith.subf %min3A_91, %max3A_88 : vector<16x128xf32>
      %max3A_95 = arith.constant 0.000000e+00 : f32
      %max3A_96 = vector.broadcast %max3A_95 : f32 to vector<16x128xf32>
      %max3A_97 = arith.maximumf %sub3A_94, %max3A_96 : vector<16x128xf32>
      %sub3A_98 = arith.subf %min3A_93, %max3A_90 : vector<16x128xf32>
      %max3A_99 = arith.constant 0.000000e+00 : f32
      %max3A_100 = vector.broadcast %max3A_99 : f32 to vector<16x128xf32>
      %max3A_101 = arith.maximumf %sub3A_98, %max3A_100 : vector<16x128xf32>
      %mul3A_102 = arith.mulf %max3A_97, %max3A_101 : vector<16x128xf32>
      %add3A = vector.broadcast %mul3A_87 : f32 to vector<16x128xf32>
      %add3A_103 = arith.addf %add3A, %mul3A : vector<16x128xf32>
      %sub3A_104 = arith.subf %add3A_103, %mul3A_102 : vector<16x128xf32>
      %add3A_105 = arith.constant 9.99999971E-10 : f32
      %add3A_106 = vector.broadcast %add3A_105 : f32 to vector<16x128xf32>
      %add3A_107 = arith.addf %sub3A_104, %add3A_106 : vector<16x128xf32>
      %div3A = arith.divf %mul3A_102, %add3A_107 : vector<16x128xf32>
      %ge3A = arith.constant 0.699999988 : f32
      %ge3A_108 = vector.broadcast %ge3A : f32 to vector<16x128xf32>
      %ge3A_109 = arith.cmpf oge, %div3A, %ge3A_108 : vector<16x128xf32>
      %or3A = arith.ori %ge3A_109, %eq3A_36 : vector<16x128xi1>
      %jit3A_110 = arith.constant 0xFF800000 : f32
      %broadcast_in_dim3A_111 = vector.broadcast %jit3A_110 : f32 to vector<16x128xf32>
      %select_n3A_112 = arith.select %or3A, %broadcast_in_dim3A_111, %scan3A_29 : vector<16x128xi1>, vector<16x128xf32>
      %eq3A_113 = arith.constant 0 : i32
      %eq3A_114 = vector.broadcast %eq3A_113 : i32 to vector<1x128xi32>
      %eq3A_115 = arith.cmpi eq, %iota3A, %eq3A_114 : vector<1x128xi32>
      %eq3A_116 = arith.constant 1 : i32
      %eq3A_117 = vector.broadcast %eq3A_116 : i32 to vector<1x128xi32>
      %eq3A_118 = arith.cmpi eq, %iota3A, %eq3A_117 : vector<1x128xi32>
      %eq3A_119 = arith.constant 2 : i32
      %eq3A_120 = vector.broadcast %eq3A_119 : i32 to vector<1x128xi32>
      %eq3A_121 = arith.cmpi eq, %iota3A, %eq3A_120 : vector<1x128xi32>
      %eq3A_122 = arith.constant 3 : i32
      %eq3A_123 = vector.broadcast %eq3A_122 : i32 to vector<1x128xi32>
      %eq3A_124 = arith.cmpi eq, %iota3A, %eq3A_123 : vector<1x128xi32>
      %jit3A_125 = arith.constant 0.000000e+00 : f32
      %broadcast_in_dim3A_126 = vector.broadcast %select_n3A_84 : f32 to vector<1x128xf32>
      %broadcast_in_dim3A_127 = vector.broadcast %jit3A_125 : f32 to vector<1x128xf32>
      %select_n3A_128 = arith.select %eq3A_124, %broadcast_in_dim3A_126, %broadcast_in_dim3A_127 : vector<1x128xi1>, vector<1x128xf32>
      %broadcast_in_dim3A_129 = vector.broadcast %select_n3A_71 : f32 to vector<1x128xf32>
      %select_n3A_130 = arith.select %eq3A_121, %broadcast_in_dim3A_129, %select_n3A_128 : vector<1x128xi1>, vector<1x128xf32>
      %broadcast_in_dim3A_131 = vector.broadcast %select_n3A_58 : f32 to vector<1x128xf32>
      %select_n3A_132 = arith.select %eq3A_118, %broadcast_in_dim3A_131, %select_n3A_130 : vector<1x128xi1>, vector<1x128xf32>
      %broadcast_in_dim3A_133 = vector.broadcast %select_n3A_45 : f32 to vector<1x128xf32>
      %select_n3A_134 = arith.select %eq3A_115, %broadcast_in_dim3A_133, %select_n3A_132 : vector<1x128xi1>, vector<1x128xf32>
      %swap3A = arith.index_cast %scan3A_28 : i32 to index
      %swap3A_135 = arith.constant 0 : index
      %swap3A_136 = vector.load %arg3[%swap3A, %swap3A_135] : memref<304x128xf32, #tpu.memory_space<vmem>>, vector<1x128xf32>
      tpu.vector_store %arg3[%swap3A, %swap3A_135], %select_n3A_134 {strides = array<i32>} : memref<304x128xf32, #tpu.memory_space<vmem>>, vector<1x128xf32>,
      scf.yield %select_n3A_112 : vector<16x128xf32>
    }
    %scan3A_27 = arith.constant 300 : i32
    return
  }
}

</mosaic_0001>

<sc_bundles>
// kernel: kernel.6.cloned.1.call-start
scs
__scs_entry_jumppad:
0x0: {  	(pc) =	sbr.rel $0x88, $3  }
0x1: {  	(tag) =	ssettag $0x0;
	lr =	simm.s32 $0x1  }
0x2: {  	[smem:$0x3F99] =	sst lr;
	_ =	strace $0xD0000000  }
0x3: {  	_ = 	snop  }
0x4: {  	_ = 	snop  }
0x5: {  	_ = 	snop  }
0x6: {  	_ = 	snop  }
0x7: {  	_ = 	snop  }
__scs_overlays_trampoline_lowered:
0x8: {  	[smem:$0x3FA8] =	sst s0  }
0x9: {  	[smem:$0x3FA9] =	sst s1  }
0xa: {  	[smem:$0x3FAA] =	sst s2  }
0xb: {  	[smem:$0x3FAB] =	sst s3  }
0xc: {  	[smem:$0x3FAC] =	sst s4  }
0xd: {  	[smem:$0x3FAD] =	sst s5  }
0xe: {  	[smem:$0x3FAE] =	sst s6  }
0xf: {  	[smem:$0x3FAF] =	sst s7  }
0x10: {  	[smem:$0x3FB0] =	sst s8  }
0x11: {  	[smem:$0x3FB1] =	sst s9;
	s0 =	simm.s32 @!p0 $0x0  }
0x12: {  	s1 =	sld [smem:$0x3F97];
	s0 =	simm.s32 @p0 $0x1  }
0x13: {  	[smem:$0x3FB2] =	sst s0;
	s0 =	simm.s32 @!p1 $0x0  }
0x14: {  	s2 =	sld [smem:$0x3F96];
	s0 =	simm.s32 @p1 $0x1  }
0x15: {  	[smem:$0x3FB3] =	sst s0;
	s0 =	simm.s32 @!p2 $0x0  }
0x16: {  	s3 =	sld [smem:$0x3FDB];
	s0 =	simm.s32 @p2 $0x1  }
0x17: {  	s4 =	simm.s32 $0x1BF5;
	[smem:$0x3FB5] =	sst s0  }
0x18: {  	s0 =	sld [smem:$0x3F98];
	_ =	swait.ge [sflag:s4], $0x0  }
0x19: {  	s7 =	sld [smem:$0x3F99]  }
0x1a: {  	s8 =	sadd.s32 $0xFFFFE003, lr  }
0x1b: {  	s9 =	sadd.s32 $0xFFFFFEF7, lr;
	s5 =	simm.s32 $0xFFFFFFFF;
	p2 =	slt.u32 s8, $0xFFFFF086  }
0x1c: {  	p1 =	slt.u32 s9, $0xF7A;
	s5 =	simm.s32 @!p2 $0x0  }
0x1d: {  	s5 =	simm.s32 @p1 $0x1;
	p0 =	seq.s32 s7, s2  }
0x1e: {  	s7 =	smul.u32 @!p0 $0xF7A, s2;
	p2 =	seq.s32 @!p0 s5, $0x0  }
0x1f: {  	s9 =	smul.u32 $0xF7A, s1;
	s8 =	simm.s32 @!p0 $0x1BF5;
	p2 =	por !p2, p0  }
0x20: {  	[sflag:s8] =	ssyncset.s32 @!p0 $0xFFFFF086;
	s6 =	sadd.s32 @!p0 s3, s7;
	s7 =	simm.s32 @!p0 $0x108  }
0x21: {  	s3 =	sadd.s32 s3, s9;
	s6 =	sadd.s32 @!p0 $0x88, s6;
	s7 =	simm.s32 @p2 $0x1082  }
0x22: {  	[simem:s7], [sflag:s8] =	dma.local @!p0 [hbm:s6], $0xF7A  }
0x23: {  	s9 =	sor.u32 $0xD0000000, s2;
	s6 =	simm.s32 $0x108;
	_ =	swait.ge @!p0 [sflag:s8], $0x0  }
0x24: {  	s3 =	sadd.s32 $0x88, s3;
	s6 =	simm.s32 @!p1 $0x1082;
	[sflag:s4] =	ssyncset.s32 $0xFFFFF086  }
0x25: {  	[simem:s6], [sflag:s4] =	dma.local [hbm:s3], $0xF7A  }
0x26: {  	[smem:$0x3F99] =	sst s1;
	(tag) =	ssettag s2;
	_ =	strace s9  }
0x27: {  	s1 =	sld [smem:$0x3FA9]  }
0x28: {  	s2 =	sld [smem:$0x3FAA]  }
0x29: {  	s4 =	sld [smem:$0x3FAC]  }
0x2a: {  	p0 =	seq.s32 s5, $0x0;
	s5 =	sld [smem:$0x3FAD]  }
0x2b: {  	s6 =	sld [smem:$0x3FAE]  }
0x2c: {  	s7 =	sld [smem:$0x3FAF]  }
0x2d: {  	s3 =	simm.s32 $0x108;
	s8 =	sld [smem:$0x3FB0]  }
0x2e: {  	s3 =	simm.s32 @!p0 $0x1082;
	s9 =	sld [smem:$0x3FB1]  }
0x2f: {  	lr =	sadd.s32 s0, s3;
	s0 =	sld [smem:$0x3FA8]  }
0x30: {  	s3 =	sld [smem:$0x3FAB]  }
0x31: {  	[smem:$0x3FB4] =	sst s10  }
0x32: {  	s10 =	sld [smem:$0x3FB2];
	_ =	sdelay $0x3  }
0x33: {  	p0 =	seq.s32 s10, $0x1;
	s10 =	sld [smem:$0x3FB4];
	_ =	sdelay $0x3  }
0x34: {  	[smem:$0x3FB4] =	sst s10  }
0x35: {  	s10 =	sld [smem:$0x3FB3];
	_ =	sdelay $0x3  }
0x36: {  	p1 =	seq.s32 s10, $0x1;
	s10 =	sld [smem:$0x3FB4];
	_ =	sdelay $0x3  }
0x37: {  	[smem:$0x3FB4] =	sst s10  }
0x38: {  	s10 =	sld [smem:$0x3FB5]  }
0x39: {  	_ = 	snop;
	(pc) =	sbr.ind lr, $3  }
0x3a: {  	_ = 	snop  }
0x3b: {  	_ = 	snop  }
0x3c: {  	p2 =	seq.s32 s10, $0x1;
	s10 =	sld [smem:$0x3FB4]  }
0x3d: {  	_ =	shalt  }
0x3e: {  	_ =	shalt  }
0x3f: {  	_ =	shalt  }
0x40: {  	_ =	shalt  }
0x41: {  	_ =	shalt  }
0x42: {  	_ =	shalt  }
0x43: {  	_ =	shalt  }
0x44: {  	_ =	shalt  }
0x45: {  	_ =	shalt  }
0x46: {  	_ =	shalt  }
0x47: {  	_ =	shalt  }
0x48: {  	_ =	shalt  }
0x49: {  	_ =	shalt  }
0x4a: {  	_ =	shalt  }
0x4b: {  	_ =	shalt  }
0x4c: {  	_ =	shalt  }
0x4d: {  	_ =	shalt  }
0x4e: {  	_ =	shalt  }
0x4f: {  	_ =	shalt  }
0x50: {  	_ =	shalt  }
0x51: {  	_ =	shalt  }
0x52: {  	_ =	shalt  }
0x53: {  	_ =	shalt  }
0x54: {  	_ =	shalt  }
0x55: {  	_ =	shalt  }
0x56: {  	_ =	shalt  }
0x57: {  	_ =	shalt  }
0x58: {  	_ =	shalt  }
0x59: {  	_ =	shalt  }
0x5a: {  	_ =	shalt  }
0x5b: {  	_ =	shalt  }
0x5c: {  	_ =	shalt  }
0x5d: {  	_ =	shalt  }
0x5e: {  	_ =	shalt  }
0x5f: {  	_ =	shalt  }
0x60: {  	_ =	shalt  }
0x61: {  	_ =	shalt  }
0x62: {  	_ =	shalt  }
0x63: {  	_ =	shalt  }
0x64: {  	_ =	shalt  }
0x65: {  	_ =	shalt  }
0x66: {  	_ =	shalt  }
0x67: {  	_ =	shalt  }
0x68: {  	_ =	shalt  }
0x69: {  	_ =	shalt  }
0x6a: {  	_ =	shalt  }
0x6b: {  	_ =	shalt  }
0x6c: {  	_ =	shalt  }
0x6d: {  	_ =	shalt  }
0x6e: {  	_ =	shalt  }
0x6f: {  	_ =	shalt  }
0x70: {  	_ =	shalt  }
0x71: {  	_ =	shalt  }
0x72: {  	_ =	shalt  }
0x73: {  	_ =	shalt  }
0x74: {  	_ =	shalt  }
0x75: {  	_ =	shalt  }
0x76: {  	_ =	shalt  }
0x77: {  	_ =	shalt  }
0x78: {  	_ =	shalt  }
0x79: {  	_ =	shalt  }
0x7a: {  	_ =	shalt  }
0x7b: {  	_ =	shalt  }
0x7c: {  	_ =	shalt  }
0x7d: {  	_ =	shalt  }
0x7e: {  	_ =	shalt  }
0x7f: {  	_ =	shalt  }
0x80: {  	_ =	shalt  }
0x81: {  	_ =	shalt  }
0x82: {  	_ =	shalt  }
0x83: {  	_ =	shalt  }
0x84: {  	_ =	shalt  }
0x85: {  	_ =	shalt  }
0x86: {  	_ =	shalt  }
0x87: {  	_ =	shalt  }
.Lfunc_end0:
.L_simem_size_0:
called_computation_lowered:
.L_overlay_start_0:
0x88: {  	s2 =	sld [smem:$0x3FD9]  }
0x89: {  	s3 =	sld [smem:$0x3FFE];
	_ =	sdelay $0x1  }
0x8a: {  	s1 =	srdreg.scid  }
0x8b: {  	s0 =	sand.u32 $0x1, s1  }
0x8c: {  	s14 =	sshll.u32 s0, $0xA;
	s2 =	sadd.s32 s3, s2  }
0x8d: {  	s2 =	sadd.s32 s2, s14  }
0x8e: {  	[smem:$0x3FC0] =	sst s2  }
0x8f: {  	_ = 	snop  }
0x90: {  	s2 =	sld [smem:$0x3FD0];
	_ =	sdelay $0x2  }
0x91: {  	s15 =	simm.s32 $0xA;
	s4 =	simm.s32 $0x10  }
0x92: {  	[smem:s4], [sflag:s15] =	dma.local [hbm:s2], $0x1  }
0x93: {  	_ =	swait.eq [sflag:s15], $0x1  }
0x94: {  	[sflag:s15] =	ssyncset.done $0x0  }
0x95: {  	[sflag:s15] =	ssyncadd.s32 $0xFFFFFFFF  }
0x96: {  	s16 =	sld [smem:$0x14];
	(tm) =	ssettm $0x1  }
0x97: {  	s17 =	sld [smem:$0x3FFB];
	_ =	sdelay $0x3  }
0x98: {  	_ =	strace s17  }
0x99: {  	s3 =	sld [smem:$0x3FFC];
	_ =	sdelay $0x3  }
0x9a: {  	_ =	strace s3  }
0x9b: {  	s3 =	sld [smem:$0x3FFD];
	_ =	sdelay $0x3  }
0x9c: {  	_ =	strace s3  }
0x9d: {  	_ =	strace $0x8FFFFFFF  }
0x9e: {  	s18 =	sld [smem:$0x3FDB];
	_ =	sdelay $0x1  }
0x9f: {  	s19 =	simm.s32 $_scs_section_size  }
0xa0: {  	s5 =	simm.s32 $_size__tile_overlayer_lowered;
	s6 =	simm.s32 $_tile_overlayer_lowered  }
0xa1: {  	s22 =	simm.s32 $0x1BFF;
	s21 =	sshll.u32 s6, $0x1;
	s3 =	sadd.s32 s19, s18  }
0xa2: {  	s7 =	simm.s32 $0x0;
	s20 =	sshll.u32 s5, $0x1;
	s5 =	sadd.s32 s21, s3  }
0xa3: {  	[timem:s7], [sflag:s22] =	dma.local [hbm:s5], s20  }
0xa4: {  	_ =	swait.ge [sflag:s22], s20  }
0xa5: {  	s4 =	ssub.s32 $0x0, s20;
	[sflag:s22] =	ssyncset.done $0x0  }
0xa6: {  	[sflag:s22] =	ssyncadd.s32 s4;
	_ =	sdelay $0x1  }
0xa7: {  	s23 =	simm.s32 $0x1B8B  }
0xa8: {  	_ =	swait.ge [sflag:s23], $0x1  }
0xa9: {  	[sflag:s23] =	ssyncset.done $0x0  }
0xaa: {  	s25 =	simm.s32 $0x1B8E;
	s24 =	sld [smem:$0x3FFE];
	[sflag:s23] =	ssyncadd.s32 $0xFFFFFFFF  }
0xab: {  	s26 =	simm.s32 $execute0_lowered;
	[smem:$0x3FD2] =	sst s25  }
0xac: {  	s5 =	sshll.u32 s26, $0x1;
	_ =	strace $0x80000046;
	[dreg:$0x1] =	wrdreg $0xFFFFFFFF  }
0xad: {  	s28 =	simm.s32 $_size_execute0_lowered;
	s3 =	sadd.s32 s3, s5;
	[dreg:$0x0] =	wrdreg $0x0  }
0xae: {  	s5 =	sshll.u32 s28, $0x1;
	[dreg:$0x2] =	wrdreg s3  }
0xaf: {  	[dreg:$0x3] =	wrdreg s5  }
0xb0: {  	[dreg:$0x4] =	wrdreg $0xC0  }
0xb1: {  	_ =	task [dreg:s7], $0x5FFFF  }
0xb2: {  	[dreg:$0x1] =	wrdreg $0xFFFFFFFF  }
0xb3: {  	[dreg:$0x0] =	wrdreg $0x60  }
0xb4: {  	[dreg:$0x2] =	wrdreg s16  }
0xb5: {  	[dreg:$0x3] =	wrdreg s24  }
0xb6: {  	[dreg:$0x4] =	wrdreg $0x9  }
0xb7: {  	_ =	task.clear_ibuf [dreg:s7], $0x5FFFF;
	_ =	strace $0x90000046  }
0xb8: {  	s29 =	simm.s32 $0x9;
	_ =	strace $0x80000048  }
0xb9: {  	_ =	swait.ge [sflag:s29], $0x1  }
0xba: {  	[sflag:s29] =	ssyncadd.s32 $0xFFFFFFFF  }
0xbb: {  	_ =	strace $0x90000048  }
0xbc: {  	_ =	sfence  }
0xbd: {  	s30 =	sld [smem:$0x0];
	_ =	sdelay $0x2  }
0xbe: {  	s31 =	sshll.u32 s1, $0xD;
	s1 =	sshrl.u32 s1, $0x2  }
0xbf: {  	s3 =	sand.u32 $0x4000, s31;
	s1 =	sadd.s32 s1, s30  }
0xc0: {  	s0 =	sor.u32 s3, s0;
	s1 =	sshll.u32 s1, $0x11  }
0xc1: {  	s0 =	sor.u32 s1, s0  }
0xc2: {  	s0 =	sadd.s32 $0x8F2B, s0  }
0xc3: {  	[sflag:s0] =	ssyncadd.remote.s32 $0x1  }
0xc4: {  	_ =	sfence.sel $0xFFFF  }
0xc5: {  	[dreg:$0x0] =	wrdreg $0xFFFFFFFF;
	(pc) =	sbr.abs _section_cstart, $3  }
0xc6: {  	[dreg:$0x1] =	wrdreg $0xFFFFFFFF  }
0xc7: {  	_ =	task.clear_ibuf [dreg:s7], $0x2FFFF;
	_ =	strace $0x9FFFFFFF  }
0xc8: {  	(tm) =	ssettm $0x7FFFFFFF  }
0xc9: {  	_ =	shalt  }
tec
execute0_lowered:
.L_overlay_start_1:
0x0: {  	(tag) =	ssettag $0x1  }
0x1: {  	s3 =	srdreg.scid  }
0x2: {  	s3 =	sand.u32 $0x1, s3  }
0x3: {  	p1 =	seq.s32 s3, $0x1  }
.Ltmp0:
0x4: {  	_ = 	snop;
	(pc) =	sbr.rel @p1 .LBB2_2-.Ltmp0, $4  }
0x5: {  	s4 =	rddreg [dreg:$0x0]  }
0x6: {  	s2 =	rddreg [dreg:$0x1];
	s1 =	simm.s32 $0x0  }
0x7: {  	s5 =	stileid.u32;
	[smem:$0x7FF] =	sst s1  }
0x8: {  	s0 =	rddreg [dreg:$0x2];
	p0 =	sne.s32 s5, $0x0;
	_ =	strace $0x80000047  }
0x9: {  	v0 =	vimm.s32 $0x57F8  }
0xa: {  	[tilespmem:$0x1100] =	vst v0  }
0xb: {  	[tilespmem:$0x1110] =	vst v0  }
0xc: {  	[tilespmem:$0x1120] =	vst v0  }
0xd: {  	[tilespmem:$0x1130] =	vst v0  }
0xe: {  	[tilespmem:$0x1140] =	vst v0  }
0xf: {  	[tilespmem:$0x1150] =	vst v0  }
0x10: {  	s8 =	sadd.s32 $0x6600, s2;
	s6 =	sshll.u32 s5, $0x4;
	[tilespmem:$0x1160] =	vst v0  }
0x11: {  	s3 =	simm.s32 $0x1100;
	s7 =	sadd.s32 s8, s6;
	[tilespmem:$0x1170] =	vst v0  }
0x12: {  	[hbm4b:s7+s1] =	stream.linear.scatter [tilespmem:s3], [sflag:$0x2], $0x80, $0x38;
	[tilespmem:$0x1180] =	vst v63  }
0x13: {  	s3 =	simm.s32 $0x2  }
0x14: {  	_ =	swait.ge [sflag:s3], $0x80  }
0x15: {  	s9 =	sadd.s32 $0x6700, s2;
	[sflag:s3] =	ssyncset.done $0x0  }
0x16: {  	s10 =	simm.s32 @!p0 $0x0;
	s11 =	simm.s32 @!p0 $0x1100;
	[sflag:s3] =	ssyncadd.s32 $0xFFFFFF80  }
0x17: {  	[hbm4b:s9+s10] =	stream.linear.scatter @!p0 [tilespmem:s11], [sflag:$0x2], $0x80, $0x38;
	[tilespmem:$0x1180] =	vst v63  }
0x18: {  	s9 =	simm.s32 @!p0 $0x2  }
0x19: {  	_ =	swait.ge @!p0 [sflag:s9], $0x80  }
0x1a: {  	[sflag:s9] =	ssyncset.done @!p0 $0x0  }
0x1b: {  	s29 =	sshll.u32 s5, $0x8;
	[sflag:s9] =	ssyncadd.s32 @!p0 $0xFFFFFF80  }
0x1c: {  	s4 =	sadd.s32 s4, s29;
	[bflag:$0x0] =	sbarrier.arrive $0xFFFF  }
0x1d: {  	[tilespmem:s1], [sflag:$0x2] =	stream.linear.gather [hbm4b:s4+s1], $0x800, $0x38;
	[tilespmem:$0x1180] =	vst v63  }
0x1e: {  	_ =	swait.ge [sflag:s3], $0x800  }
0x1f: {  	s30 =	sadd.s32 s29, s2;
	[sflag:s3] =	ssyncset.done $0x0  }
0x20: {  	s31 =	simm.s32 $0x800;
	s4 =	sadd.s32 $0x1A00, s30;
	[sflag:s3] =	ssyncadd.s32 $0xFFFFF800  }
0x21: {  	[tilespmem:s31], [sflag:$0x2] =	stream.linear.gather [hbm4b:s4+s1], $0x800, $0x38;
	[tilespmem:$0x1180] =	vst v63  }
0x22: {  	_ =	swait.ge [sflag:s3], $0x800  }
0x23: {  	[sflag:s3] =	ssyncset.done $0x0  }
0x24: {  	s5 =	simm.s32 $0x80;
	s4 =	simm.s32 $0x1;
	[sflag:s3] =	ssyncadd.s32 $0xFFFFF800  }
0x25: {  	[hbm4b:s8+s5] =	stream.indirect.scatter [tilespmem:s31], [sflag:$0x1], $0x1, s1, s5, $0xb8;
	[tilespmem:$0x1180] =	vst v63  }
0x26: {  	_ =	swait.ge [sflag:s4], $0x80  }
0x27: {  	[sflag:s4] =	ssyncset.done $0x0  }
0x28: {  	s10 =	simm.s32 $0x880;
	[sflag:s4] =	ssyncadd.s32 $0xFFFFFF80  }
0x29: {  	[hbm4b:s8+s5] =	stream.indirect.scatter [tilespmem:s10], [sflag:$0x1], $0x1, s5, s5, $0xb8;
	[tilespmem:$0x1180] =	vst v63  }
0x2a: {  	_ =	swait.ge [sflag:s4], $0x80  }
0x2b: {  	[sflag:s4] =	ssyncset.done $0x0  }
0x2c: {  	s12 =	simm.s32 $0x900;
	s11 =	simm.s32 $0x100;
	[sflag:s4] =	ssyncadd.s32 $0xFFFFFF80  }
0x2d: {  	[hbm4b:s8+s5] =	stream.indirect.scatter [tilespmem:s12], [sflag:$0x1], $0x1, s11, s5, $0xb8;
	[tilespmem:$0x1180] =	vst v63  }
0x2e: {  	_ =	swait.ge [sflag:s4], $0x80  }
0x2f: {  	[sflag:s4] =	ssyncset.done $0x0  }
0x30: {  	s13 =	simm.s32 $0x180;
	s14 =	simm.s32 $0x980;
	[sflag:s4] =	ssyncadd.s32 $0xFFFFFF80  }
0x31: {  	[hbm4b:s8+s5] =	stream.indirect.scatter [tilespmem:s14], [sflag:$0x1], $0x1, s13, s5, $0xb8;
	[tilespmem:$0x1180] =	vst v63  }
0x32: {  	_ =	swait.ge [sflag:s4], $0x80  }
0x33: {  	[sflag:s4] =	ssyncset.done $0x0  }
0x34: {  	s15 =	simm.s32 $0x200;
	s16 =	simm.s32 $0xA00;
	[sflag:s4] =	ssyncadd.s32 $0xFFFFFF80  }
0x35: {  	[hbm4b:s8+s5] =	stream.indirect.scatter [tilespmem:s16], [sflag:$0x1], $0x1, s15, s5, $0xb8;
	[tilespmem:$0x1180] =	vst v63  }
0x36: {  	_ =	swait.ge [sflag:s4], $0x80  }
0x37: {  	[sflag:s4] =	ssyncset.done $0x0  }
0x38: {  	s17 =	simm.s32 $0x280;
	s18 =	simm.s32 $0xA80;
	[sflag:s4] =	ssyncadd.s32 $0xFFFFFF80  }
0x39: {  	[hbm4b:s8+s5] =	stream.indirect.scatter [tilespmem:s18], [sflag:$0x1], $0x1, s17, s5, $0xb8;
	[tilespmem:$0x1180] =	vst v63  }
0x3a: {  	_ =	swait.ge [sflag:s4], $0x80  }
0x3b: {  	[sflag:s4] =	ssyncset.done $0x0  }
0x3c: {  	s19 =	simm.s32 $0x300;
	s20 =	simm.s32 $0xB00;
	[sflag:s4] =	ssyncadd.s32 $0xFFFFFF80  }
0x3d: {  	[hbm4b:s8+s5] =	stream.indirect.scatter [tilespmem:s20], [sflag:$0x1], $0x1, s19, s5, $0xb8;
	[tilespmem:$0x1180] =	vst v63  }
0x3e: {  	_ =	swait.ge [sflag:s4], $0x80  }
0x3f: {  	[sflag:s4] =	ssyncset.done $0x0  }
0x40: {  	s21 =	simm.s32 $0x380;
	s22 =	simm.s32 $0xB80;
	[sflag:s4] =	ssyncadd.s32 $0xFFFFFF80  }
0x41: {  	[hbm4b:s8+s5] =	stream.indirect.scatter [tilespmem:s22], [sflag:$0x1], $0x1, s21, s5, $0xb8;
	[tilespmem:$0x1180] =	vst v63  }
0x42: {  	_ =	swait.ge [sflag:s4], $0x80  }
0x43: {  	[sflag:s4] =	ssyncset.done $0x0  }
0x44: {  	s23 =	simm.s32 $0x400;
	s24 =	simm.s32 $0xC00;
	[sflag:s4] =	ssyncadd.s32 $0xFFFFFF80  }
0x45: {  	[hbm4b:s8+s5] =	stream.indirect.scatter [tilespmem:s24], [sflag:$0x1], $0x1, s23, s5, $0xb8;
	[tilespmem:$0x1180] =	vst v63  }
0x46: {  	_ =	swait.ge [sflag:s4], $0x80  }
0x47: {  	[sflag:s4] =	ssyncset.done $0x0  }
0x48: {  	s25 =	simm.s32 $0x480;
	s26 =	simm.s32 $0xC80;
	[sflag:s4] =	ssyncadd.s32 $0xFFFFFF80  }
0x49: {  	[hbm4b:s8+s5] =	stream.indirect.scatter [tilespmem:s26], [sflag:$0x1], $0x1, s25, s5, $0xb8;
	[tilespmem:$0x1180] =	vst v63  }
0x4a: {  	_ =	swait.ge [sflag:s4], $0x80  }
0x4b: {  	[sflag:s4] =	ssyncset.done $0x0  }
0x4c: {  	s28 =	simm.s32 $0x500;
	s29 =	simm.s32 $0xD00;
	[sflag:s4] =	ssyncadd.s32 $0xFFFFFF80  }
0x4d: {  	[hbm4b:s8+s5] =	stream.indirect.scatter [tilespmem:s29], [sflag:$0x1], $0x1, s28, s5, $0xb8;
	[tilespmem:$0x1180] =	vst v63  }
0x4e: {  	_ =	swait.ge [sflag:s4], $0x80  }
0x4f: {  	[sflag:s4] =	ssyncset.done $0x0  }
0x50: {  	s30 =	simm.s32 $0x580;
	s31 =	simm.s32 $0xD80;
	[sflag:s4] =	ssyncadd.s32 $0xFFFFFF80  }
0x51: {  	[hbm4b:s8+s5] =	stream.indirect.scatter [tilespmem:s31], [sflag:$0x1], $0x1, s30, s5, $0xb8;
	[tilespmem:$0x1180] =	vst v63  }
0x52: {  	_ =	swait.ge [sflag:s4], $0x80  }
0x53: {  	[sflag:s4] =	ssyncset.done $0x0  }
0x54: {  	s11 =	simm.s32 $0x600;
	s12 =	simm.s32 $0xE00;
	[sflag:s4] =	ssyncadd.s32 $0xFFFFFF80  }
0x55: {  	[hbm4b:s8+s5] =	stream.indirect.scatter [tilespmem:s12], [sflag:$0x1], $0x1, s11, s5, $0xb8;
	[tilespmem:$0x1180] =	vst v63  }
0x56: {  	_ =	swait.ge [sflag:s4], $0x80  }
0x57: {  	[sflag:s4] =	ssyncset.done $0x0  }
0x58: {  	s13 =	simm.s32 $0x680;
	s14 =	simm.s32 $0xE80;
	[sflag:s4] =	ssyncadd.s32 $0xFFFFFF80  }
0x59: {  	[hbm4b:s8+s5] =	stream.indirect.scatter [tilespmem:s14], [sflag:$0x1], $0x1, s13, s5, $0xb8;
	[tilespmem:$0x1180] =	vst v63  }
0x5a: {  	_ =	swait.ge [sflag:s4], $0x80  }
0x5b: {  	[sflag:s4] =	ssyncset.done $0x0  }
0x5c: {  	s15 =	simm.s32 $0x700;
	s16 =	simm.s32 $0xF00;
	[sflag:s4] =	ssyncadd.s32 $0xFFFFFF80  }
0x5d: {  	[hbm4b:s8+s5] =	stream.indirect.scatter [tilespmem:s16], [sflag:$0x1], $0x1, s15, s5, $0xb8;
	[tilespmem:$0x1180] =	vst v63  }
0x5e: {  	_ =	swait.ge [sflag:s4], $0x80  }
0x5f: {  	[sflag:s4] =	ssyncset.done $0x0  }
0x60: {  	s17 =	simm.s32 $0x780;
	s18 =	simm.s32 $0xF80;
	[sflag:s4] =	ssyncadd.s32 $0xFFFFFF80  }
0x61: {  	[hbm4b:s8+s5] =	stream.indirect.scatter [tilespmem:s18], [sflag:$0x1], $0x1, s17, s5, $0xb8;
	[tilespmem:$0x1180] =	vst v63  }
0x62: {  	_ =	swait.ge [sflag:s4], $0x80  }
0x63: {  	[sflag:s4] =	ssyncset.done $0x0  }
0x64: {  	[sflag:s4] =	ssyncadd.s32 $0xFFFFFF80  }
0x65: {  	s19 =	simm.s32 $0x1000;
	[bflag:$0x0] =	sbarrier.arrive $0xFFFF  }
0x66: {  	[tilespmem:s19], [sflag:$0x2] =	stream.linear.gather [hbm4b:s7+s1], $0x80, $0x38;
	[tilespmem:$0x1180] =	vst v63  }
0x67: {  	_ =	swait.ge [sflag:s3], $0x80  }
0x68: {  	[sflag:s3] =	ssyncset.done $0x0  }
0x69: {  	s20 =	sadd.s32 $0x2A00, s2;
	s21 =	simm.s32 $0x1080;
	[sflag:s3] =	ssyncadd.s32 $0xFFFFFF80  }
0x6a: {  	[tilespmem:s21], [sflag:$0x1] =	stream.indirect.gather [hbm4b:s20+s5], $0x1, s19, s5, $0xb8;
	[tilespmem:$0x1180] =	vst v63  }
0x6b: {  	_ =	swait.ge [sflag:s4], $0x80  }
0x6c: {  	s6 =	sadd.s32 s6, s2;
	[sflag:s4] =	ssyncset.done $0x0  }
0x6d: {  	s22 =	sadd.s32 $0x7000, s6;
	[sflag:s4] =	ssyncadd.s32 $0xFFFFFF80  }
0x6e: {  	[hbm4b:s22+s1] =	stream.linear.scatter [tilespmem:s21], [sflag:$0x2], $0x80, $0x38;
	[tilespmem:$0x1180] =	vst v63  }
0x6f: {  	_ =	swait.ge [sflag:s3], $0x80  }
0x70: {  	[sflag:s3] =	ssyncset.done $0x0  }
0x71: {  	s23 =	sadd.s32 $0x3600, s2;
	[sflag:s3] =	ssyncadd.s32 $0xFFFFFF80  }
0x72: {  	[tilespmem:s21], [sflag:$0x1] =	stream.indirect.gather [hbm4b:s23+s5], $0x1, s19, s5, $0xb8;
	[tilespmem:$0x1180] =	vst v63  }
0x73: {  	_ =	swait.ge [sflag:s4], $0x80  }
0x74: {  	[sflag:s4] =	ssyncset.done $0x0  }
0x75: {  	s24 =	sadd.s32 $0x6800, s6;
	[sflag:s4] =	ssyncadd.s32 $0xFFFFFF80  }
0x76: {  	[hbm4b:s24+s1] =	stream.linear.scatter [tilespmem:s21], [sflag:$0x2], $0x80, $0x38;
	[tilespmem:$0x1180] =	vst v63  }
0x77: {  	_ =	swait.ge [sflag:s3], $0x80  }
0x78: {  	[sflag:s3] =	ssyncset.done $0x0  }
0x79: {  	s25 =	sadd.s32 $0x5A00, s2;
	[sflag:s3] =	ssyncadd.s32 $0xFFFFFF80  }
0x7a: {  	[tilespmem:s21], [sflag:$0x1] =	stream.indirect.gather [hbm4b:s25+s5], $0x1, s19, s5, $0xb8;
	[tilespmem:$0x1180] =	vst v63  }
0x7b: {  	_ =	swait.ge [sflag:s4], $0x80  }
0x7c: {  	[sflag:s4] =	ssyncset.done $0x0  }
0x7d: {  	s26 =	sadd.s32 $0x6A00, s6;
	[sflag:s4] =	ssyncadd.s32 $0xFFFFFF80  }
0x7e: {  	[hbm4b:s26+s1] =	stream.linear.scatter [tilespmem:s21], [sflag:$0x2], $0x80, $0x38;
	[tilespmem:$0x1180] =	vst v63  }
0x7f: {  	_ =	swait.ge [sflag:s3], $0x80  }
0x80: {  	[sflag:s3] =	ssyncset.done $0x0  }
0x81: {  	s28 =	sadd.s32 $0x4E00, s2;
	[sflag:s3] =	ssyncadd.s32 $0xFFFFFF80  }
0x82: {  	[tilespmem:s21], [sflag:$0x1] =	stream.indirect.gather [hbm4b:s28+s5], $0x1, s19, s5, $0xb8;
	[tilespmem:$0x1180] =	vst v63  }
0x83: {  	_ =	swait.ge [sflag:s4], $0x80  }
0x84: {  	[sflag:s4] =	ssyncset.done $0x0  }
0x85: {  	s29 =	sadd.s32 $0x6C00, s6;
	[sflag:s4] =	ssyncadd.s32 $0xFFFFFF80  }
0x86: {  	[hbm4b:s29+s1] =	stream.linear.scatter [tilespmem:s21], [sflag:$0x2], $0x80, $0x38;
	[tilespmem:$0x1180] =	vst v63  }
0x87: {  	_ =	swait.ge [sflag:s3], $0x80  }
0x88: {  	[sflag:s3] =	ssyncset.done $0x0  }
0x89: {  	s30 =	sadd.s32 $0x4200, s2;
	[sflag:s3] =	ssyncadd.s32 $0xFFFFFF80  }
0x8a: {  	[tilespmem:s21], [sflag:$0x1] =	stream.indirect.gather [hbm4b:s30+s5], $0x1, s19, s5, $0xb8;
	[tilespmem:$0x1180] =	vst v63  }
0x8b: {  	_ =	swait.ge [sflag:s4], $0x80  }
0x8c: {  	[sflag:s4] =	ssyncset.done $0x0  }
0x8d: {  	s31 =	sadd.s32 $0x6E00, s6;
	[sflag:s4] =	ssyncadd.s32 $0xFFFFFF80  }
0x8e: {  	[hbm4b:s31+s1] =	stream.linear.scatter [tilespmem:s21], [sflag:$0x2], $0x80, $0x38;
	[tilespmem:$0x1180] =	vst v63  }
0x8f: {  	_ =	swait.ge [sflag:s3], $0x80  }
0x90: {  	[sflag:s3] =	ssyncset.done $0x0  }
0x91: {  	[sflag:s3] =	ssyncadd.s32 $0xFFFFFF80  }
.LBB2_2:
0x92: {  	_ =	sfence.sel $0x180000  }
0x93: {  	[bflag:$0x0] =	sbarrier.arrive $0xFFFF  }
0x94: {  	_ =	strace $0x90000047  }
0x95: {  	s0 =	sadd.s32 @!p0 $0x100000, s0;
	[bflag:$0x2] =	sbarrier.arrive $0xFFFF  }
0x96: {  	[sflag:s0] =	ssyncadd.tile.s32 @!p0 $0x1;
	_ =	shalt  }
.Lfunc_end2:
_tile_overlayer_lowered:
.L_overlay_start_2:
0x97: {  	(tag) =	ssettag $0x2  }
0x98: {  	s0 =	rddreg [dreg:$0x0];
	s2 =	stileid.u32  }
0x99: {  	s1 =	rddreg [dreg:$0x1];
	p0 =	sne.s32 s2, $0x0  }
0x9a: {  	s3 =	rddreg [dreg:$0x2];
	[bflag:$0x3] =	sbarrier.arrive $0xFFFF;
	s2 =	simm.s32 @!p0 $0x1C02  }
0x9b: {  	[timem:s3], [sflag:s2] =	dma.local @!p0 [hbm:s0], s1  }
0x9c: {  	s0 =	simm.s32 @!p0 $0x2  }
0x9d: {  	_ =	swait.ge @!p0 [sflag:s0], s1  }
0x9e: {  	s1 =	ssub.s32 @!p0 $0x0, s1;
	[sflag:s0] =	ssyncset.done @!p0 $0x0  }
0x9f: {  	[sflag:s0] =	ssyncadd.s32 @!p0 s1  }
0xa0: {  	[bflag:$0x3] =	sbarrier.arrive $0xFFFF  }
0xa1: {  	_ =	shalt  }

</sc_bundles>
